<compile_context>
chip_gen: v7x
topology: tpu7x:2x2x1
jax: 0.10.2.dev20260603
libtpu: 0.0.44.dev20260713+nightly
codegen_flags: <defaults>
</compile_context>

<pallas_src>
import functools

import jax
import jax.numpy as jnp
from jax import lax
from jax.experimental import pallas as pl
from jax.experimental.pallas import tpu as pltpu
from jax.experimental.pallas import tpu_sc as plsc

NC = 2
NS = 16
L = 16
B = 16384
K = 16
BPW = B // (NC * NS)
NBLK = BPW // L
SCALE = 0.5 / B

_SC_PARAMS = pltpu.CompilerParams(
    needs_layout_passes=False, use_tc_tiling_on_sc=False)
_MESH = plsc.VectorSubcoreMesh(core_axis_name="c", subcore_axis_name="s")


def _affine_body(sampleU, sampleI, sampleF, sampleR, alpha_arr,
                 betaU, betaI, thetaU, e0_hbm,
                 idxU_v, idxI_v, f_v, r_v, alpha_v,
                 bu_v, bi_v, tu_v, e0_v, sem):
  cid = lax.axis_index("c")
  sid = lax.axis_index("s")
  base = (sid * NC + cid) * BPW

  pltpu.sync_copy(sampleU.at[pl.ds(base, BPW)], idxU_v)
  pltpu.sync_copy(sampleI.at[pl.ds(base, BPW)], idxI_v)
  pltpu.sync_copy(sampleF.at[pl.ds(base, BPW)], f_v)
  pltpu.sync_copy(sampleR.at[pl.ds(base, BPW)], r_v)
  pltpu.sync_copy(alpha_arr, alpha_v)

  cps = [
      pltpu.async_copy(betaU.at[idxU_v], bu_v, sem),
      pltpu.async_copy(betaI.at[idxI_v], bi_v, sem),
      pltpu.async_copy(thetaU.at[idxU_v], tu_v, sem),
  ]
  for cp in cps:
    cp.wait()

  av = alpha_v[...]

  def block_body(blk, carry):
    r0 = blk * L
    e0 = (av + bu_v[pl.ds(r0, L)] + bi_v[pl.ds(r0, L)]
          + tu_v[pl.ds(r0, L)] * f_v[pl.ds(r0, L)] - r_v[pl.ds(r0, L)])
    e0_v[pl.ds(r0, L)] = e0
    return carry

  lax.fori_loop(0, NBLK, block_body, 0)
  pltpu.sync_copy(e0_v, e0_hbm.at[pl.ds(base, BPW)])


_affine_call = functools.partial(
    pl.kernel,
    out_type=jax.ShapeDtypeStruct((B,), jnp.float32),
    mesh=_MESH,
    compiler_params=_SC_PARAMS,
    scratch_types=[
        pltpu.VMEM((BPW,), jnp.int32),
        pltpu.VMEM((BPW,), jnp.int32),
        pltpu.VMEM((BPW,), jnp.float32),
        pltpu.VMEM((BPW,), jnp.float32),
        pltpu.VMEM((L,), jnp.float32),
        pltpu.VMEM((BPW,), jnp.float32),
        pltpu.VMEM((BPW,), jnp.float32),
        pltpu.VMEM((BPW,), jnp.float32),
        pltpu.VMEM((BPW,), jnp.float32),
        pltpu.SemaphoreType.DMA,
    ],
)(_affine_body)


def _dot_body(*refs):
  sampleU, sampleI, e0 = refs[:3]
  gU = refs[3:3 + K]
  gI = refs[3 + K:3 + 2 * K]
  (out_hbm, idxU_v, idxI_v, e0_v, gup_v, gip_v,
   lacc_v, out_v, allp_v, shared, sem) = refs[3 + 2 * K:]

  cid = lax.axis_index("c")
  sid = lax.axis_index("s")
  base = (sid * NC + cid) * BPW

  pltpu.sync_copy(sampleU.at[pl.ds(base, BPW)], idxU_v)
  pltpu.sync_copy(sampleI.at[pl.ds(base, BPW)], idxI_v)
  pltpu.sync_copy(e0.at[pl.ds(base, BPW)], e0_v)

  cps = []
  for k in range(K):
    dst = pl.ds(k * BPW, BPW)
    cps.append(pltpu.async_copy(gU[k].at[idxU_v], gup_v.at[dst], sem))
    cps.append(pltpu.async_copy(gI[k].at[idxI_v], gip_v.at[dst], sem))
  for cp in cps:
    cp.wait()

  def block_body(blk, acc):
    r0 = blk * L
    dot = jnp.zeros((L,), jnp.float32)
    for k in range(K):
      dot = dot + (gup_v[pl.ds(k * BPW + r0, L)] *
                   gip_v[pl.ds(k * BPW + r0, L)])
    e = e0_v[pl.ds(r0, L)] + dot
    return acc + e * e

  loss_acc = lax.fori_loop(0, NBLK, block_body, jnp.zeros((L,), jnp.float32))

  lacc_v[...] = loss_acc
  pltpu.sync_copy(lacc_v, shared.at[sid])
  plsc.subcore_barrier()

  @pl.when(sid == 0)
  def _():
    pltpu.sync_copy(shared, allp_v)
    tot = jnp.zeros((L,), jnp.float32)
    for i in range(NS):
      tot = tot + allp_v[i, :]
    total = jnp.sum(tot) * SCALE
    out_v[...] = jnp.full((L,), total, jnp.float32)
    pltpu.sync_copy(out_v, out_hbm.at[pl.ds(cid * L, L)])


_dot_call = functools.partial(
    pl.kernel,
    out_type=jax.ShapeDtypeStruct((NC * L,), jnp.float32),
    mesh=_MESH,
    compiler_params=_SC_PARAMS,
    scratch_types=[
        pltpu.VMEM((BPW,), jnp.int32),
        pltpu.VMEM((BPW,), jnp.int32),
        pltpu.VMEM((BPW,), jnp.float32),
        pltpu.VMEM((K * BPW,), jnp.float32),
        pltpu.VMEM((K * BPW,), jnp.float32),
        pltpu.VMEM((L,), jnp.float32),
        pltpu.VMEM((L,), jnp.float32),
        pltpu.VMEM((NS, L), jnp.float32),
        pltpu.VMEM_SHARED((NS, L), jnp.float32),
        pltpu.SemaphoreType.DMA,
    ],
)(_dot_body)


_N = 1000000
_CHUNK = 65536
_NCHUNK = -(-_N // _CHUNK)


def _detile_body(gtu_ref, gti_ref, *out_refs):
  for k in range(K):
    out_refs[k][...] = gtu_ref[k, :]
    out_refs[K + k][...] = gti_ref[k, :]


_detile = pl.pallas_call(
    _detile_body,
    grid=(_NCHUNK,),
    in_specs=[pl.BlockSpec((K, _CHUNK), lambda c: (0, c))] * 2,
    out_specs=[pl.BlockSpec((_CHUNK,), lambda c: (c,))] * (2 * K),
    out_shape=[jax.ShapeDtypeStruct((_N,), jnp.float32)] * (2 * K),
)


@jax.jit
def kernel(sampleU, sampleI, sampleF, sampleR, alpha,
           betaU, betaI, thetaU, gammaU, gammaI):
  alpha_arr = jnp.full((L,), alpha, dtype=jnp.float32)
  e0 = _affine_call(sampleU, sampleI, sampleF, sampleR, alpha_arr,
                    betaU, betaI, thetaU)
  planes = _detile(gammaU.T, gammaI.T)
  out = _dot_call(sampleU, sampleI, e0, *planes)
  return out[0] + out[L]

# --- scband reference (transcript-rebuilt; emitter-appended) ---
"""Pipeline reference for scband-splfm-53626961657993 (READ-ONLY COPY).

The authoritative reference and input builder live on the scoring server;
editing this copy changes nothing except your own understanding.
"""

import jax, jax.numpy as jnp
import numpy as np

N_USERS = 1000000
N_ITEMS = 1000000
K = 16
B = 16384


def setup_inputs(seed: int = 0) -> dict:
    key = jax.random.key(seed)
    ks = jax.random.split(key, 10)
    sampleU = jax.random.randint(ks[0], (B,), 0, N_USERS, dtype=jnp.int32)
    sampleI = jax.random.randint(ks[1], (B,), 0, N_ITEMS, dtype=jnp.int32)
    sampleF = jax.random.normal(ks[2], (B,), dtype=jnp.float32)
    sampleR = jax.random.uniform(ks[3], (B,), dtype=jnp.float32)
    # learned parameters (linear=1 branch of SPLFM)
    alpha = jnp.asarray(3.5, dtype=jnp.float32)
    betaU = 0.001 * jax.random.normal(ks[4], (N_USERS,), dtype=jnp.float32)
    betaI = 0.001 * jax.random.normal(ks[5], (N_ITEMS,), dtype=jnp.float32)
    thetaU = 0.001 * jax.random.normal(ks[6], (N_USERS,), dtype=jnp.float32)
    gammaU = 0.001 * jax.random.normal(ks[7], (N_USERS, K), dtype=jnp.float32)
    gammaI = 0.001 * jax.random.normal(ks[8], (N_ITEMS, K), dtype=jnp.float32)
    return {
        "sampleU": sampleU,
        "sampleI": sampleI,
        "sampleF": sampleF,
        "sampleR": sampleR,
        "alpha": alpha,
        "betaU": betaU,
        "betaI": betaI,
        "thetaU": thetaU,
        "gammaU": gammaU,
        "gammaI": gammaI,
    }


def reference(sampleU, sampleI, sampleF, sampleR, alpha, betaU, betaI, thetaU, gammaU, gammaI):
    # embedding lookups (tf.nn.embedding_lookup -> jnp.take)
    beta_u = jnp.take(betaU, sampleU, axis=0)
    beta_i = jnp.take(betaI, sampleI, axis=0)
    theta_u = jnp.take(thetaU, sampleU, axis=0)
    gamma_u = jnp.take(gammaU, sampleU, axis=0)
    gamma_i = jnp.take(gammaI, sampleI, axis=0)
    # linear=1 branch: pred = alpha + betaU[u] + betaI[i] + thetaU[u]*f + <gammaU[u], gammaI[i]>
    pred = alpha + beta_u + beta_i + theta_u * sampleF + jnp.sum(gamma_u * gamma_i, axis=1)
    # tf.nn.l2_loss(x) = 0.5 * sum(x**2)
    loss = 0.5 * jnp.sum((pred - sampleR) ** 2) / sampleR.shape[0]
    return loss

if __name__ == "__main__":
    import jax
    _d = setup_inputs()
    print(jax.jit(kernel)(*tuple(_d.values())))

</pallas_src>

<mosaic_0001>
#map = affine_map<(d0, d1) -> (0)>
module attributes {stable_mosaic.version = 14 : i64} {
  func.func @_dot_body(%arg0: i32, %arg1: i32, %arg2: memref<16384xi32, #tpu.memory_space<hbm>>, %arg3: memref<16384xi32, #tpu.memory_space<hbm>>, %arg4: memref<16384xf32, #tpu.memory_space<hbm>>, %arg5: memref<1000000xf32, #tpu.memory_space<hbm>>, %arg6: memref<1000000xf32, #tpu.memory_space<hbm>>, %arg7: memref<1000000xf32, #tpu.memory_space<hbm>>, %arg8: memref<1000000xf32, #tpu.memory_space<hbm>>, %arg9: memref<1000000xf32, #tpu.memory_space<hbm>>, %arg10: memref<1000000xf32, #tpu.memory_space<hbm>>, %arg11: memref<1000000xf32, #tpu.memory_space<hbm>>, %arg12: memref<1000000xf32, #tpu.memory_space<hbm>>, %arg13: memref<1000000xf32, #tpu.memory_space<hbm>>, %arg14: memref<1000000xf32, #tpu.memory_space<hbm>>, %arg15: memref<1000000xf32, #tpu.memory_space<hbm>>, %arg16: memref<1000000xf32, #tpu.memory_space<hbm>>, %arg17: memref<1000000xf32, #tpu.memory_space<hbm>>, %arg18: memref<1000000xf32, #tpu.memory_space<hbm>>, %arg19: memref<1000000xf32, #tpu.memory_space<hbm>>, %arg20: memref<1000000xf32, #tpu.memory_space<hbm>>, %arg21: memref<1000000xf32, #tpu.memory_space<hbm>>, %arg22: memref<1000000xf32, #tpu.memory_space<hbm>>, %arg23: memref<1000000xf32, #tpu.memory_space<hbm>>, %arg24: memref<1000000xf32, #tpu.memory_space<hbm>>, %arg25: memref<1000000xf32, #tpu.memory_space<hbm>>, %arg26: memref<1000000xf32, #tpu.memory_space<hbm>>, %arg27: memref<1000000xf32, #tpu.memory_space<hbm>>, %arg28: memref<1000000xf32, #tpu.memory_space<hbm>>, %arg29: memref<1000000xf32, #tpu.memory_space<hbm>>, %arg30: memref<1000000xf32, #tpu.memory_space<hbm>>, %arg31: memref<1000000xf32, #tpu.memory_space<hbm>>, %arg32: memref<1000000xf32, #tpu.memory_space<hbm>>, %arg33: memref<1000000xf32, #tpu.memory_space<hbm>>, %arg34: memref<1000000xf32, #tpu.memory_space<hbm>>, %arg35: memref<1000000xf32, #tpu.memory_space<hbm>>, %arg36: memref<1000000xf32, #tpu.memory_space<hbm>>, %arg37: memref<32xf32, #tpu.memory_space<hbm>>, %arg38: memref<512xi32, #tpu.memory_space<vmem>>, %arg39: memref<512xi32, #tpu.memory_space<vmem>>, %arg40: memref<512xf32, #tpu.memory_space<vmem>>, %arg41: memref<8192xf32, #tpu.memory_space<vmem>>, %arg42: memref<8192xf32, #tpu.memory_space<vmem>>, %arg43: memref<16xf32, #tpu.memory_space<vmem>>, %arg44: memref<16xf32, #tpu.memory_space<vmem>>, %arg45: memref<16x16xf32, #tpu.memory_space<vmem>>, %arg46: memref<16x16xf32, #tpu.memory_space<vmem_shared>>, %arg47: memref<!tpu.dma_semaphore, #tpu.memory_space<semaphore_mem>>) attributes {dimension_semantics = [#tpu.dimension_semantics<core_parallel>, #tpu.dimension_semantics<subcore_parallel>], iteration_bounds = array<i64: 2, 16>, scalar_prefetch = 0 : i64, scratch_operands = 10 : i64, tpu.core_type = #tpu.core_type<sc_vector_subcore>, window_params = [{transform_indices = #map}, {transform_indices = #map}, {transform_indices = #map}, {transform_indices = #map}, {transform_indices = #map}, {transform_indices = #map}, {transform_indices = #map}, {transform_indices = #map}, {transform_indices = #map}, {transform_indices = #map}, {transform_indices = #map}, {transform_indices = #map}, {transform_indices = #map}, {transform_indices = #map}, {transform_indices = #map}, {transform_indices = #map}, {transform_indices = #map}, {transform_indices = #map}, {transform_indices = #map}, {transform_indices = #map}, {transform_indices = #map}, {transform_indices = #map}, {transform_indices = #map}, {transform_indices = #map}, {transform_indices = #map}, {transform_indices = #map}, {transform_indices = #map}, {transform_indices = #map}, {transform_indices = #map}, {transform_indices = #map}, {transform_indices = #map}, {transform_indices = #map}, {transform_indices = #map}, {transform_indices = #map}, {transform_indices = #map}, {transform_indices = #map}]} {
    %mul3A = arith.constant 2 : i32
    %mul3A_0 = arith.muli %arg1, %mul3A : i32
    %add3A = arith.addi %mul3A_0, %arg0 : i32
    %mul3A_1 = arith.constant 512 : i32
    %mul3A_2 = arith.muli %add3A, %mul3A_1 : i32
    "tpu.region"() ({
      %run_scoped3A = tpu.sem_alloc : memref<!tpu.dma_semaphore, #tpu.memory_space<semaphore_mem>>
      %dma_start3A_266 = tpu.memref_slice %arg2[%mul3A_2] : memref<16384xi32, #tpu.memory_space<hbm>> -> memref<512xi32, #tpu.memory_space<hbm>>
      %dma_start3A_267 = tpu.memref_slice %arg2[%mul3A_2] : memref<16384xi32, #tpu.memory_space<hbm>> -> memref<512xi32, #tpu.memory_space<hbm>>
      tpu.enqueue_dma source(%dma_start3A_267 : memref<512xi32, #tpu.memory_space<hbm>>) target(%arg38 : memref<512xi32, #tpu.memory_space<vmem>>) target_semaphore(%run_scoped3A : memref<!tpu.dma_semaphore, #tpu.memory_space<semaphore_mem>>)
      %dma_wait3A_268 = tpu.memref_slice %arg2[%mul3A_2] : memref<16384xi32, #tpu.memory_space<hbm>> -> memref<512xi32, #tpu.memory_space<hbm>>
      %dma_wait3A_269 = tpu.memref_slice %arg2[%mul3A_2] : memref<16384xi32, #tpu.memory_space<hbm>> -> memref<512xi32, #tpu.memory_space<hbm>>
      tpu.wait_dma2 semaphore(%run_scoped3A : memref<!tpu.dma_semaphore, #tpu.memory_space<semaphore_mem>>) src(%dma_wait3A_269 : memref<512xi32, #tpu.memory_space<hbm>>) dst(%arg38 : memref<512xi32, #tpu.memory_space<vmem>>)
      tpu.yield
    }) : () -> ()
    "tpu.region"() ({
      %run_scoped3A = tpu.sem_alloc : memref<!tpu.dma_semaphore, #tpu.memory_space<semaphore_mem>>
      %dma_start3A_266 = tpu.memref_slice %arg3[%mul3A_2] : memref<16384xi32, #tpu.memory_space<hbm>> -> memref<512xi32, #tpu.memory_space<hbm>>
      %dma_start3A_267 = tpu.memref_slice %arg3[%mul3A_2] : memref<16384xi32, #tpu.memory_space<hbm>> -> memref<512xi32, #tpu.memory_space<hbm>>
      tpu.enqueue_dma source(%dma_start3A_267 : memref<512xi32, #tpu.memory_space<hbm>>) target(%arg39 : memref<512xi32, #tpu.memory_space<vmem>>) target_semaphore(%run_scoped3A : memref<!tpu.dma_semaphore, #tpu.memory_space<semaphore_mem>>)
      %dma_wait3A_268 = tpu.memref_slice %arg3[%mul3A_2] : memref<16384xi32, #tpu.memory_space<hbm>> -> memref<512xi32, #tpu.memory_space<hbm>>
      %dma_wait3A_269 = tpu.memref_slice %arg3[%mul3A_2] : memref<16384xi32, #tpu.memory_space<hbm>> -> memref<512xi32, #tpu.memory_space<hbm>>
      tpu.wait_dma2 semaphore(%run_scoped3A : memref<!tpu.dma_semaphore, #tpu.memory_space<semaphore_mem>>) src(%dma_wait3A_269 : memref<512xi32, #tpu.memory_space<hbm>>) dst(%arg39 : memref<512xi32, #tpu.memory_space<vmem>>)
      tpu.yield
    }) : () -> ()
    "tpu.region"() ({
      %run_scoped3A = tpu.sem_alloc : memref<!tpu.dma_semaphore, #tpu.memory_space<semaphore_mem>>
      %dma_start3A_266 = tpu.memref_slice %arg4[%mul3A_2] : memref<16384xf32, #tpu.memory_space<hbm>> -> memref<512xf32, #tpu.memory_space<hbm>>
      %dma_start3A_267 = tpu.memref_slice %arg4[%mul3A_2] : memref<16384xf32, #tpu.memory_space<hbm>> -> memref<512xf32, #tpu.memory_space<hbm>>
      tpu.enqueue_dma source(%dma_start3A_267 : memref<512xf32, #tpu.memory_space<hbm>>) target(%arg40 : memref<512xf32, #tpu.memory_space<vmem>>) target_semaphore(%run_scoped3A : memref<!tpu.dma_semaphore, #tpu.memory_space<semaphore_mem>>)
      %dma_wait3A_268 = tpu.memref_slice %arg4[%mul3A_2] : memref<16384xf32, #tpu.memory_space<hbm>> -> memref<512xf32, #tpu.memory_space<hbm>>
      %dma_wait3A_269 = tpu.memref_slice %arg4[%mul3A_2] : memref<16384xf32, #tpu.memory_space<hbm>> -> memref<512xf32, #tpu.memory_space<hbm>>
      tpu.wait_dma2 semaphore(%run_scoped3A : memref<!tpu.dma_semaphore, #tpu.memory_space<semaphore_mem>>) src(%dma_wait3A_269 : memref<512xf32, #tpu.memory_space<hbm>>) dst(%arg40 : memref<512xf32, #tpu.memory_space<vmem>>)
      tpu.yield
    }) : () -> ()
    %dma_start3A = arith.constant 0 : i32
    %dma_start3A_3 = tpu.memref_slice %arg41[%dma_start3A] : memref<8192xf32, #tpu.memory_space<vmem>> -> memref<512xf32, #tpu.memory_space<vmem>>
    %dma_start3A_4 = arith.constant 0 : i32
    %dma_start3A_5 = tpu.memref_slice %arg5[%dma_start3A_4] : memref<1000000xf32, #tpu.memory_space<hbm>> -> memref<1000000xf32, #tpu.memory_space<hbm>>
    tpu.enqueue_indirect_dma source(%dma_start3A_5 : memref<1000000xf32, #tpu.memory_space<hbm>>) target(%dma_start3A_3 : memref<512xf32, #tpu.memory_space<vmem>>) offsets(%arg38 : memref<512xi32, #tpu.memory_space<vmem>>) semaphore(%arg47 : memref<!tpu.dma_semaphore, #tpu.memory_space<semaphore_mem>>)
    %dma_start3A_6 = arith.constant 0 : i32
    %dma_start3A_7 = tpu.memref_slice %arg42[%dma_start3A_6] : memref<8192xf32, #tpu.memory_space<vmem>> -> memref<512xf32, #tpu.memory_space<vmem>>
    %dma_start3A_8 = arith.constant 0 : i32
    %dma_start3A_9 = tpu.memref_slice %arg21[%dma_start3A_8] : memref<1000000xf32, #tpu.memory_space<hbm>> -> memref<1000000xf32, #tpu.memory_space<hbm>>
    tpu.enqueue_indirect_dma source(%dma_start3A_9 : memref<1000000xf32, #tpu.memory_space<hbm>>) target(%dma_start3A_7 : memref<512xf32, #tpu.memory_space<vmem>>) offsets(%arg39 : memref<512xi32, #tpu.memory_space<vmem>>) semaphore(%arg47 : memref<!tpu.dma_semaphore, #tpu.memory_space<semaphore_mem>>)
    %dma_start3A_10 = arith.constant 512 : i32
    %dma_start3A_11 = tpu.memref_slice %arg41[%dma_start3A_10] : memref<8192xf32, #tpu.memory_space<vmem>> -> memref<512xf32, #tpu.memory_space<vmem>>
    %dma_start3A_12 = arith.constant 0 : i32
    %dma_start3A_13 = tpu.memref_slice %arg6[%dma_start3A_12] : memref<1000000xf32, #tpu.memory_space<hbm>> -> memref<1000000xf32, #tpu.memory_space<hbm>>
    tpu.enqueue_indirect_dma source(%dma_start3A_13 : memref<1000000xf32, #tpu.memory_space<hbm>>) target(%dma_start3A_11 : memref<512xf32, #tpu.memory_space<vmem>>) offsets(%arg38 : memref<512xi32, #tpu.memory_space<vmem>>) semaphore(%arg47 : memref<!tpu.dma_semaphore, #tpu.memory_space<semaphore_mem>>)
    %dma_start3A_14 = arith.constant 512 : i32
    %dma_start3A_15 = tpu.memref_slice %arg42[%dma_start3A_14] : memref<8192xf32, #tpu.memory_space<vmem>> -> memref<512xf32, #tpu.memory_space<vmem>>
    %dma_start3A_16 = arith.constant 0 : i32
    %dma_start3A_17 = tpu.memref_slice %arg22[%dma_start3A_16] : memref<1000000xf32, #tpu.memory_space<hbm>> -> memref<1000000xf32, #tpu.memory_space<hbm>>
    tpu.enqueue_indirect_dma source(%dma_start3A_17 : memref<1000000xf32, #tpu.memory_space<hbm>>) target(%dma_start3A_15 : memref<512xf32, #tpu.memory_space<vmem>>) offsets(%arg39 : memref<512xi32, #tpu.memory_space<vmem>>) semaphore(%arg47 : memref<!tpu.dma_semaphore, #tpu.memory_space<semaphore_mem>>)
    %dma_start3A_18 = arith.constant 1024 : i32
    %dma_start3A_19 = tpu.memref_slice %arg41[%dma_start3A_18] : memref<8192xf32, #tpu.memory_space<vmem>> -> memref<512xf32, #tpu.memory_space<vmem>>
    %dma_start3A_20 = arith.constant 0 : i32
    %dma_start3A_21 = tpu.memref_slice %arg7[%dma_start3A_20] : memref<1000000xf32, #tpu.memory_space<hbm>> -> memref<1000000xf32, #tpu.memory_space<hbm>>
    tpu.enqueue_indirect_dma source(%dma_start3A_21 : memref<1000000xf32, #tpu.memory_space<hbm>>) target(%dma_start3A_19 : memref<512xf32, #tpu.memory_space<vmem>>) offsets(%arg38 : memref<512xi32, #tpu.memory_space<vmem>>) semaphore(%arg47 : memref<!tpu.dma_semaphore, #tpu.memory_space<semaphore_mem>>)
    %dma_start3A_22 = arith.constant 1024 : i32
    %dma_start3A_23 = tpu.memref_slice %arg42[%dma_start3A_22] : memref<8192xf32, #tpu.memory_space<vmem>> -> memref<512xf32, #tpu.memory_space<vmem>>
    %dma_start3A_24 = arith.constant 0 : i32
    %dma_start3A_25 = tpu.memref_slice %arg23[%dma_start3A_24] : memref<1000000xf32, #tpu.memory_space<hbm>> -> memref<1000000xf32, #tpu.memory_space<hbm>>
    tpu.enqueue_indirect_dma source(%dma_start3A_25 : memref<1000000xf32, #tpu.memory_space<hbm>>) target(%dma_start3A_23 : memref<512xf32, #tpu.memory_space<vmem>>) offsets(%arg39 : memref<512xi32, #tpu.memory_space<vmem>>) semaphore(%arg47 : memref<!tpu.dma_semaphore, #tpu.memory_space<semaphore_mem>>)
    %dma_start3A_26 = arith.constant 1536 : i32
    %dma_start3A_27 = tpu.memref_slice %arg41[%dma_start3A_26] : memref<8192xf32, #tpu.memory_space<vmem>> -> memref<512xf32, #tpu.memory_space<vmem>>
    %dma_start3A_28 = arith.constant 0 : i32
    %dma_start3A_29 = tpu.memref_slice %arg8[%dma_start3A_28] : memref<1000000xf32, #tpu.memory_space<hbm>> -> memref<1000000xf32, #tpu.memory_space<hbm>>
    tpu.enqueue_indirect_dma source(%dma_start3A_29 : memref<1000000xf32, #tpu.memory_space<hbm>>) target(%dma_start3A_27 : memref<512xf32, #tpu.memory_space<vmem>>) offsets(%arg38 : memref<512xi32, #tpu.memory_space<vmem>>) semaphore(%arg47 : memref<!tpu.dma_semaphore, #tpu.memory_space<semaphore_mem>>)
    %dma_start3A_30 = arith.constant 1536 : i32
    %dma_start3A_31 = tpu.memref_slice %arg42[%dma_start3A_30] : memref<8192xf32, #tpu.memory_space<vmem>> -> memref<512xf32, #tpu.memory_space<vmem>>
    %dma_start3A_32 = arith.constant 0 : i32
    %dma_start3A_33 = tpu.memref_slice %arg24[%dma_start3A_32] : memref<1000000xf32, #tpu.memory_space<hbm>> -> memref<1000000xf32, #tpu.memory_space<hbm>>
    tpu.enqueue_indirect_dma source(%dma_start3A_33 : memref<1000000xf32, #tpu.memory_space<hbm>>) target(%dma_start3A_31 : memref<512xf32, #tpu.memory_space<vmem>>) offsets(%arg39 : memref<512xi32, #tpu.memory_space<vmem>>) semaphore(%arg47 : memref<!tpu.dma_semaphore, #tpu.memory_space<semaphore_mem>>)
    %dma_start3A_34 = arith.constant 2048 : i32
    %dma_start3A_35 = tpu.memref_slice %arg41[%dma_start3A_34] : memref<8192xf32, #tpu.memory_space<vmem>> -> memref<512xf32, #tpu.memory_space<vmem>>
    %dma_start3A_36 = arith.constant 0 : i32
    %dma_start3A_37 = tpu.memref_slice %arg9[%dma_start3A_36] : memref<1000000xf32, #tpu.memory_space<hbm>> -> memref<1000000xf32, #tpu.memory_space<hbm>>
    tpu.enqueue_indirect_dma source(%dma_start3A_37 : memref<1000000xf32, #tpu.memory_space<hbm>>) target(%dma_start3A_35 : memref<512xf32, #tpu.memory_space<vmem>>) offsets(%arg38 : memref<512xi32, #tpu.memory_space<vmem>>) semaphore(%arg47 : memref<!tpu.dma_semaphore, #tpu.memory_space<semaphore_mem>>)
    %dma_start3A_38 = arith.constant 2048 : i32
    %dma_start3A_39 = tpu.memref_slice %arg42[%dma_start3A_38] : memref<8192xf32, #tpu.memory_space<vmem>> -> memref<512xf32, #tpu.memory_space<vmem>>
    %dma_start3A_40 = arith.constant 0 : i32
    %dma_start3A_41 = tpu.memref_slice %arg25[%dma_start3A_40] : memref<1000000xf32, #tpu.memory_space<hbm>> -> memref<1000000xf32, #tpu.memory_space<hbm>>
    tpu.enqueue_indirect_dma source(%dma_start3A_41 : memref<1000000xf32, #tpu.memory_space<hbm>>) target(%dma_start3A_39 : memref<512xf32, #tpu.memory_space<vmem>>) offsets(%arg39 : memref<512xi32, #tpu.memory_space<vmem>>) semaphore(%arg47 : memref<!tpu.dma_semaphore, #tpu.memory_space<semaphore_mem>>)
    %dma_start3A_42 = arith.constant 2560 : i32
    %dma_start3A_43 = tpu.memref_slice %arg41[%dma_start3A_42] : memref<8192xf32, #tpu.memory_space<vmem>> -> memref<512xf32, #tpu.memory_space<vmem>>
    %dma_start3A_44 = arith.constant 0 : i32
    %dma_start3A_45 = tpu.memref_slice %arg10[%dma_start3A_44] : memref<1000000xf32, #tpu.memory_space<hbm>> -> memref<1000000xf32, #tpu.memory_space<hbm>>
    tpu.enqueue_indirect_dma source(%dma_start3A_45 : memref<1000000xf32, #tpu.memory_space<hbm>>) target(%dma_start3A_43 : memref<512xf32, #tpu.memory_space<vmem>>) offsets(%arg38 : memref<512xi32, #tpu.memory_space<vmem>>) semaphore(%arg47 : memref<!tpu.dma_semaphore, #tpu.memory_space<semaphore_mem>>)
    %dma_start3A_46 = arith.constant 2560 : i32
    %dma_start3A_47 = tpu.memref_slice %arg42[%dma_start3A_46] : memref<8192xf32, #tpu.memory_space<vmem>> -> memref<512xf32, #tpu.memory_space<vmem>>
    %dma_start3A_48 = arith.constant 0 : i32
    %dma_start3A_49 = tpu.memref_slice %arg26[%dma_start3A_48] : memref<1000000xf32, #tpu.memory_space<hbm>> -> memref<1000000xf32, #tpu.memory_space<hbm>>
    tpu.enqueue_indirect_dma source(%dma_start3A_49 : memref<1000000xf32, #tpu.memory_space<hbm>>) target(%dma_start3A_47 : memref<512xf32, #tpu.memory_space<vmem>>) offsets(%arg39 : memref<512xi32, #tpu.memory_space<vmem>>) semaphore(%arg47 : memref<!tpu.dma_semaphore, #tpu.memory_space<semaphore_mem>>)
    %dma_start3A_50 = arith.constant 3072 : i32
    %dma_start3A_51 = tpu.memref_slice %arg41[%dma_start3A_50] : memref<8192xf32, #tpu.memory_space<vmem>> -> memref<512xf32, #tpu.memory_space<vmem>>
    %dma_start3A_52 = arith.constant 0 : i32
    %dma_start3A_53 = tpu.memref_slice %arg11[%dma_start3A_52] : memref<1000000xf32, #tpu.memory_space<hbm>> -> memref<1000000xf32, #tpu.memory_space<hbm>>
    tpu.enqueue_indirect_dma source(%dma_start3A_53 : memref<1000000xf32, #tpu.memory_space<hbm>>) target(%dma_start3A_51 : memref<512xf32, #tpu.memory_space<vmem>>) offsets(%arg38 : memref<512xi32, #tpu.memory_space<vmem>>) semaphore(%arg47 : memref<!tpu.dma_semaphore, #tpu.memory_space<semaphore_mem>>)
    %dma_start3A_54 = arith.constant 3072 : i32
    %dma_start3A_55 = tpu.memref_slice %arg42[%dma_start3A_54] : memref<8192xf32, #tpu.memory_space<vmem>> -> memref<512xf32, #tpu.memory_space<vmem>>
    %dma_start3A_56 = arith.constant 0 : i32
    %dma_start3A_57 = tpu.memref_slice %arg27[%dma_start3A_56] : memref<1000000xf32, #tpu.memory_space<hbm>> -> memref<1000000xf32, #tpu.memory_space<hbm>>
    tpu.enqueue_indirect_dma source(%dma_start3A_57 : memref<1000000xf32, #tpu.memory_space<hbm>>) target(%dma_start3A_55 : memref<512xf32, #tpu.memory_space<vmem>>) offsets(%arg39 : memref<512xi32, #tpu.memory_space<vmem>>) semaphore(%arg47 : memref<!tpu.dma_semaphore, #tpu.memory_space<semaphore_mem>>)
    %dma_start3A_58 = arith.constant 3584 : i32
    %dma_start3A_59 = tpu.memref_slice %arg41[%dma_start3A_58] : memref<8192xf32, #tpu.memory_space<vmem>> -> memref<512xf32, #tpu.memory_space<vmem>>
    %dma_start3A_60 = arith.constant 0 : i32
    %dma_start3A_61 = tpu.memref_slice %arg12[%dma_start3A_60] : memref<1000000xf32, #tpu.memory_space<hbm>> -> memref<1000000xf32, #tpu.memory_space<hbm>>
    tpu.enqueue_indirect_dma source(%dma_start3A_61 : memref<1000000xf32, #tpu.memory_space<hbm>>) target(%dma_start3A_59 : memref<512xf32, #tpu.memory_space<vmem>>) offsets(%arg38 : memref<512xi32, #tpu.memory_space<vmem>>) semaphore(%arg47 : memref<!tpu.dma_semaphore, #tpu.memory_space<semaphore_mem>>)
    %dma_start3A_62 = arith.constant 3584 : i32
    %dma_start3A_63 = tpu.memref_slice %arg42[%dma_start3A_62] : memref<8192xf32, #tpu.memory_space<vmem>> -> memref<512xf32, #tpu.memory_space<vmem>>
    %dma_start3A_64 = arith.constant 0 : i32
    %dma_start3A_65 = tpu.memref_slice %arg28[%dma_start3A_64] : memref<1000000xf32, #tpu.memory_space<hbm>> -> memref<1000000xf32, #tpu.memory_space<hbm>>
    tpu.enqueue_indirect_dma source(%dma_start3A_65 : memref<1000000xf32, #tpu.memory_space<hbm>>) target(%dma_start3A_63 : memref<512xf32, #tpu.memory_space<vmem>>) offsets(%arg39 : memref<512xi32, #tpu.memory_space<vmem>>) semaphore(%arg47 : memref<!tpu.dma_semaphore, #tpu.memory_space<semaphore_mem>>)
    %dma_start3A_66 = arith.constant 4096 : i32
    %dma_start3A_67 = tpu.memref_slice %arg41[%dma_start3A_66] : memref<8192xf32, #tpu.memory_space<vmem>> -> memref<512xf32, #tpu.memory_space<vmem>>
    %dma_start3A_68 = arith.constant 0 : i32
    %dma_start3A_69 = tpu.memref_slice %arg13[%dma_start3A_68] : memref<1000000xf32, #tpu.memory_space<hbm>> -> memref<1000000xf32, #tpu.memory_space<hbm>>
    tpu.enqueue_indirect_dma source(%dma_start3A_69 : memref<1000000xf32, #tpu.memory_space<hbm>>) target(%dma_start3A_67 : memref<512xf32, #tpu.memory_space<vmem>>) offsets(%arg38 : memref<512xi32, #tpu.memory_space<vmem>>) semaphore(%arg47 : memref<!tpu.dma_semaphore, #tpu.memory_space<semaphore_mem>>)
    %dma_start3A_70 = arith.constant 4096 : i32
    %dma_start3A_71 = tpu.memref_slice %arg42[%dma_start3A_70] : memref<8192xf32, #tpu.memory_space<vmem>> -> memref<512xf32, #tpu.memory_space<vmem>>
    %dma_start3A_72 = arith.constant 0 : i32
    %dma_start3A_73 = tpu.memref_slice %arg29[%dma_start3A_72] : memref<1000000xf32, #tpu.memory_space<hbm>> -> memref<1000000xf32, #tpu.memory_space<hbm>>
    tpu.enqueue_indirect_dma source(%dma_start3A_73 : memref<1000000xf32, #tpu.memory_space<hbm>>) target(%dma_start3A_71 : memref<512xf32, #tpu.memory_space<vmem>>) offsets(%arg39 : memref<512xi32, #tpu.memory_space<vmem>>) semaphore(%arg47 : memref<!tpu.dma_semaphore, #tpu.memory_space<semaphore_mem>>)
    %dma_start3A_74 = arith.constant 4608 : i32
    %dma_start3A_75 = tpu.memref_slice %arg41[%dma_start3A_74] : memref<8192xf32, #tpu.memory_space<vmem>> -> memref<512xf32, #tpu.memory_space<vmem>>
    %dma_start3A_76 = arith.constant 0 : i32
    %dma_start3A_77 = tpu.memref_slice %arg14[%dma_start3A_76] : memref<1000000xf32, #tpu.memory_space<hbm>> -> memref<1000000xf32, #tpu.memory_space<hbm>>
    tpu.enqueue_indirect_dma source(%dma_start3A_77 : memref<1000000xf32, #tpu.memory_space<hbm>>) target(%dma_start3A_75 : memref<512xf32, #tpu.memory_space<vmem>>) offsets(%arg38 : memref<512xi32, #tpu.memory_space<vmem>>) semaphore(%arg47 : memref<!tpu.dma_semaphore, #tpu.memory_space<semaphore_mem>>)
    %dma_start3A_78 = arith.constant 4608 : i32
    %dma_start3A_79 = tpu.memref_slice %arg42[%dma_start3A_78] : memref<8192xf32, #tpu.memory_space<vmem>> -> memref<512xf32, #tpu.memory_space<vmem>>
    %dma_start3A_80 = arith.constant 0 : i32
    %dma_start3A_81 = tpu.memref_slice %arg30[%dma_start3A_80] : memref<1000000xf32, #tpu.memory_space<hbm>> -> memref<1000000xf32, #tpu.memory_space<hbm>>
    tpu.enqueue_indirect_dma source(%dma_start3A_81 : memref<1000000xf32, #tpu.memory_space<hbm>>) target(%dma_start3A_79 : memref<512xf32, #tpu.memory_space<vmem>>) offsets(%arg39 : memref<512xi32, #tpu.memory_space<vmem>>) semaphore(%arg47 : memref<!tpu.dma_semaphore, #tpu.memory_space<semaphore_mem>>)
    %dma_start3A_82 = arith.constant 5120 : i32
    %dma_start3A_83 = tpu.memref_slice %arg41[%dma_start3A_82] : memref<8192xf32, #tpu.memory_space<vmem>> -> memref<512xf32, #tpu.memory_space<vmem>>
    %dma_start3A_84 = arith.constant 0 : i32
    %dma_start3A_85 = tpu.memref_slice %arg15[%dma_start3A_84] : memref<1000000xf32, #tpu.memory_space<hbm>> -> memref<1000000xf32, #tpu.memory_space<hbm>>
    tpu.enqueue_indirect_dma source(%dma_start3A_85 : memref<1000000xf32, #tpu.memory_space<hbm>>) target(%dma_start3A_83 : memref<512xf32, #tpu.memory_space<vmem>>) offsets(%arg38 : memref<512xi32, #tpu.memory_space<vmem>>) semaphore(%arg47 : memref<!tpu.dma_semaphore, #tpu.memory_space<semaphore_mem>>)
    %dma_start3A_86 = arith.constant 5120 : i32
    %dma_start3A_87 = tpu.memref_slice %arg42[%dma_start3A_86] : memref<8192xf32, #tpu.memory_space<vmem>> -> memref<512xf32, #tpu.memory_space<vmem>>
    %dma_start3A_88 = arith.constant 0 : i32
    %dma_start3A_89 = tpu.memref_slice %arg31[%dma_start3A_88] : memref<1000000xf32, #tpu.memory_space<hbm>> -> memref<1000000xf32, #tpu.memory_space<hbm>>
    tpu.enqueue_indirect_dma source(%dma_start3A_89 : memref<1000000xf32, #tpu.memory_space<hbm>>) target(%dma_start3A_87 : memref<512xf32, #tpu.memory_space<vmem>>) offsets(%arg39 : memref<512xi32, #tpu.memory_space<vmem>>) semaphore(%arg47 : memref<!tpu.dma_semaphore, #tpu.memory_space<semaphore_mem>>)
    %dma_start3A_90 = arith.constant 5632 : i32
    %dma_start3A_91 = tpu.memref_slice %arg41[%dma_start3A_90] : memref<8192xf32, #tpu.memory_space<vmem>> -> memref<512xf32, #tpu.memory_space<vmem>>
    %dma_start3A_92 = arith.constant 0 : i32
    %dma_start3A_93 = tpu.memref_slice %arg16[%dma_start3A_92] : memref<1000000xf32, #tpu.memory_space<hbm>> -> memref<1000000xf32, #tpu.memory_space<hbm>>
    tpu.enqueue_indirect_dma source(%dma_start3A_93 : memref<1000000xf32, #tpu.memory_space<hbm>>) target(%dma_start3A_91 : memref<512xf32, #tpu.memory_space<vmem>>) offsets(%arg38 : memref<512xi32, #tpu.memory_space<vmem>>) semaphore(%arg47 : memref<!tpu.dma_semaphore, #tpu.memory_space<semaphore_mem>>)
    %dma_start3A_94 = arith.constant 5632 : i32
    %dma_start3A_95 = tpu.memref_slice %arg42[%dma_start3A_94] : memref<8192xf32, #tpu.memory_space<vmem>> -> memref<512xf32, #tpu.memory_space<vmem>>
    %dma_start3A_96 = arith.constant 0 : i32
    %dma_start3A_97 = tpu.memref_slice %arg32[%dma_start3A_96] : memref<1000000xf32, #tpu.memory_space<hbm>> -> memref<1000000xf32, #tpu.memory_space<hbm>>
    tpu.enqueue_indirect_dma source(%dma_start3A_97 : memref<1000000xf32, #tpu.memory_space<hbm>>) target(%dma_start3A_95 : memref<512xf32, #tpu.memory_space<vmem>>) offsets(%arg39 : memref<512xi32, #tpu.memory_space<vmem>>) semaphore(%arg47 : memref<!tpu.dma_semaphore, #tpu.memory_space<semaphore_mem>>)
    %dma_start3A_98 = arith.constant 6144 : i32
    %dma_start3A_99 = tpu.memref_slice %arg41[%dma_start3A_98] : memref<8192xf32, #tpu.memory_space<vmem>> -> memref<512xf32, #tpu.memory_space<vmem>>
    %dma_start3A_100 = arith.constant 0 : i32
    %dma_start3A_101 = tpu.memref_slice %arg17[%dma_start3A_100] : memref<1000000xf32, #tpu.memory_space<hbm>> -> memref<1000000xf32, #tpu.memory_space<hbm>>
    tpu.enqueue_indirect_dma source(%dma_start3A_101 : memref<1000000xf32, #tpu.memory_space<hbm>>) target(%dma_start3A_99 : memref<512xf32, #tpu.memory_space<vmem>>) offsets(%arg38 : memref<512xi32, #tpu.memory_space<vmem>>) semaphore(%arg47 : memref<!tpu.dma_semaphore, #tpu.memory_space<semaphore_mem>>)
    %dma_start3A_102 = arith.constant 6144 : i32
    %dma_start3A_103 = tpu.memref_slice %arg42[%dma_start3A_102] : memref<8192xf32, #tpu.memory_space<vmem>> -> memref<512xf32, #tpu.memory_space<vmem>>
    %dma_start3A_104 = arith.constant 0 : i32
    %dma_start3A_105 = tpu.memref_slice %arg33[%dma_start3A_104] : memref<1000000xf32, #tpu.memory_space<hbm>> -> memref<1000000xf32, #tpu.memory_space<hbm>>
    tpu.enqueue_indirect_dma source(%dma_start3A_105 : memref<1000000xf32, #tpu.memory_space<hbm>>) target(%dma_start3A_103 : memref<512xf32, #tpu.memory_space<vmem>>) offsets(%arg39 : memref<512xi32, #tpu.memory_space<vmem>>) semaphore(%arg47 : memref<!tpu.dma_semaphore, #tpu.memory_space<semaphore_mem>>)
    %dma_start3A_106 = arith.constant 6656 : i32
    %dma_start3A_107 = tpu.memref_slice %arg41[%dma_start3A_106] : memref<8192xf32, #tpu.memory_space<vmem>> -> memref<512xf32, #tpu.memory_space<vmem>>
    %dma_start3A_108 = arith.constant 0 : i32
    %dma_start3A_109 = tpu.memref_slice %arg18[%dma_start3A_108] : memref<1000000xf32, #tpu.memory_space<hbm>> -> memref<1000000xf32, #tpu.memory_space<hbm>>
    tpu.enqueue_indirect_dma source(%dma_start3A_109 : memref<1000000xf32, #tpu.memory_space<hbm>>) target(%dma_start3A_107 : memref<512xf32, #tpu.memory_space<vmem>>) offsets(%arg38 : memref<512xi32, #tpu.memory_space<vmem>>) semaphore(%arg47 : memref<!tpu.dma_semaphore, #tpu.memory_space<semaphore_mem>>)
    %dma_start3A_110 = arith.constant 6656 : i32
    %dma_start3A_111 = tpu.memref_slice %arg42[%dma_start3A_110] : memref<8192xf32, #tpu.memory_space<vmem>> -> memref<512xf32, #tpu.memory_space<vmem>>
    %dma_start3A_112 = arith.constant 0 : i32
    %dma_start3A_113 = tpu.memref_slice %arg34[%dma_start3A_112] : memref<1000000xf32, #tpu.memory_space<hbm>> -> memref<1000000xf32, #tpu.memory_space<hbm>>
    tpu.enqueue_indirect_dma source(%dma_start3A_113 : memref<1000000xf32, #tpu.memory_space<hbm>>) target(%dma_start3A_111 : memref<512xf32, #tpu.memory_space<vmem>>) offsets(%arg39 : memref<512xi32, #tpu.memory_space<vmem>>) semaphore(%arg47 : memref<!tpu.dma_semaphore, #tpu.memory_space<semaphore_mem>>)
    %dma_start3A_114 = arith.constant 7168 : i32
    %dma_start3A_115 = tpu.memref_slice %arg41[%dma_start3A_114] : memref<8192xf32, #tpu.memory_space<vmem>> -> memref<512xf32, #tpu.memory_space<vmem>>
    %dma_start3A_116 = arith.constant 0 : i32
    %dma_start3A_117 = tpu.memref_slice %arg19[%dma_start3A_116] : memref<1000000xf32, #tpu.memory_space<hbm>> -> memref<1000000xf32, #tpu.memory_space<hbm>>
    tpu.enqueue_indirect_dma source(%dma_start3A_117 : memref<1000000xf32, #tpu.memory_space<hbm>>) target(%dma_start3A_115 : memref<512xf32, #tpu.memory_space<vmem>>) offsets(%arg38 : memref<512xi32, #tpu.memory_space<vmem>>) semaphore(%arg47 : memref<!tpu.dma_semaphore, #tpu.memory_space<semaphore_mem>>)
    %dma_start3A_118 = arith.constant 7168 : i32
    %dma_start3A_119 = tpu.memref_slice %arg42[%dma_start3A_118] : memref<8192xf32, #tpu.memory_space<vmem>> -> memref<512xf32, #tpu.memory_space<vmem>>
    %dma_start3A_120 = arith.constant 0 : i32
    %dma_start3A_121 = tpu.memref_slice %arg35[%dma_start3A_120] : memref<1000000xf32, #tpu.memory_space<hbm>> -> memref<1000000xf32, #tpu.memory_space<hbm>>
    tpu.enqueue_indirect_dma source(%dma_start3A_121 : memref<1000000xf32, #tpu.memory_space<hbm>>) target(%dma_start3A_119 : memref<512xf32, #tpu.memory_space<vmem>>) offsets(%arg39 : memref<512xi32, #tpu.memory_space<vmem>>) semaphore(%arg47 : memref<!tpu.dma_semaphore, #tpu.memory_space<semaphore_mem>>)
    %dma_start3A_122 = arith.constant 7680 : i32
    %dma_start3A_123 = tpu.memref_slice %arg41[%dma_start3A_122] : memref<8192xf32, #tpu.memory_space<vmem>> -> memref<512xf32, #tpu.memory_space<vmem>>
    %dma_start3A_124 = arith.constant 0 : i32
    %dma_start3A_125 = tpu.memref_slice %arg20[%dma_start3A_124] : memref<1000000xf32, #tpu.memory_space<hbm>> -> memref<1000000xf32, #tpu.memory_space<hbm>>
    tpu.enqueue_indirect_dma source(%dma_start3A_125 : memref<1000000xf32, #tpu.memory_space<hbm>>) target(%dma_start3A_123 : memref<512xf32, #tpu.memory_space<vmem>>) offsets(%arg38 : memref<512xi32, #tpu.memory_space<vmem>>) semaphore(%arg47 : memref<!tpu.dma_semaphore, #tpu.memory_space<semaphore_mem>>)
    %dma_start3A_126 = arith.constant 7680 : i32
    %dma_start3A_127 = tpu.memref_slice %arg42[%dma_start3A_126] : memref<8192xf32, #tpu.memory_space<vmem>> -> memref<512xf32, #tpu.memory_space<vmem>>
    %dma_start3A_128 = arith.constant 0 : i32
    %dma_start3A_129 = tpu.memref_slice %arg36[%dma_start3A_128] : memref<1000000xf32, #tpu.memory_space<hbm>> -> memref<1000000xf32, #tpu.memory_space<hbm>>
    tpu.enqueue_indirect_dma source(%dma_start3A_129 : memref<1000000xf32, #tpu.memory_space<hbm>>) target(%dma_start3A_127 : memref<512xf32, #tpu.memory_space<vmem>>) offsets(%arg39 : memref<512xi32, #tpu.memory_space<vmem>>) semaphore(%arg47 : memref<!tpu.dma_semaphore, #tpu.memory_space<semaphore_mem>>)
    %dma_wait3A = arith.constant 0 : i32
    %dma_wait3A_130 = tpu.memref_slice %arg41[%dma_wait3A] : memref<8192xf32, #tpu.memory_space<vmem>> -> memref<512xf32, #tpu.memory_space<vmem>>
    %dma_wait3A_131 = arith.constant 0 : i32
    %dma_wait3A_132 = tpu.memref_slice %arg5[%dma_wait3A_131] : memref<1000000xf32, #tpu.memory_space<hbm>> -> memref<1000000xf32, #tpu.memory_space<hbm>>
    tpu.wait_indirect_dma semaphore(%arg47 : memref<!tpu.dma_semaphore, #tpu.memory_space<semaphore_mem>>) src(%dma_wait3A_132 : memref<1000000xf32, #tpu.memory_space<hbm>>) dst(%dma_wait3A_130 : memref<512xf32, #tpu.memory_space<vmem>>)
    %dma_wait3A_133 = arith.constant 0 : i32
    %dma_wait3A_134 = tpu.memref_slice %arg42[%dma_wait3A_133] : memref<8192xf32, #tpu.memory_space<vmem>> -> memref<512xf32, #tpu.memory_space<vmem>>
    %dma_wait3A_135 = arith.constant 0 : i32
    %dma_wait3A_136 = tpu.memref_slice %arg21[%dma_wait3A_135] : memref<1000000xf32, #tpu.memory_space<hbm>> -> memref<1000000xf32, #tpu.memory_space<hbm>>
    tpu.wait_indirect_dma semaphore(%arg47 : memref<!tpu.dma_semaphore, #tpu.memory_space<semaphore_mem>>) src(%dma_wait3A_136 : memref<1000000xf32, #tpu.memory_space<hbm>>) dst(%dma_wait3A_134 : memref<512xf32, #tpu.memory_space<vmem>>)
    %dma_wait3A_137 = arith.constant 512 : i32
    %dma_wait3A_138 = tpu.memref_slice %arg41[%dma_wait3A_137] : memref<8192xf32, #tpu.memory_space<vmem>> -> memref<512xf32, #tpu.memory_space<vmem>>
    %dma_wait3A_139 = arith.constant 0 : i32
    %dma_wait3A_140 = tpu.memref_slice %arg6[%dma_wait3A_139] : memref<1000000xf32, #tpu.memory_space<hbm>> -> memref<1000000xf32, #tpu.memory_space<hbm>>
    tpu.wait_indirect_dma semaphore(%arg47 : memref<!tpu.dma_semaphore, #tpu.memory_space<semaphore_mem>>) src(%dma_wait3A_140 : memref<1000000xf32, #tpu.memory_space<hbm>>) dst(%dma_wait3A_138 : memref<512xf32, #tpu.memory_space<vmem>>)
    %dma_wait3A_141 = arith.constant 512 : i32
    %dma_wait3A_142 = tpu.memref_slice %arg42[%dma_wait3A_141] : memref<8192xf32, #tpu.memory_space<vmem>> -> memref<512xf32, #tpu.memory_space<vmem>>
    %dma_wait3A_143 = arith.constant 0 : i32
    %dma_wait3A_144 = tpu.memref_slice %arg22[%dma_wait3A_143] : memref<1000000xf32, #tpu.memory_space<hbm>> -> memref<1000000xf32, #tpu.memory_space<hbm>>
    tpu.wait_indirect_dma semaphore(%arg47 : memref<!tpu.dma_semaphore, #tpu.memory_space<semaphore_mem>>) src(%dma_wait3A_144 : memref<1000000xf32, #tpu.memory_space<hbm>>) dst(%dma_wait3A_142 : memref<512xf32, #tpu.memory_space<vmem>>)
    %dma_wait3A_145 = arith.constant 1024 : i32
    %dma_wait3A_146 = tpu.memref_slice %arg41[%dma_wait3A_145] : memref<8192xf32, #tpu.memory_space<vmem>> -> memref<512xf32, #tpu.memory_space<vmem>>
    %dma_wait3A_147 = arith.constant 0 : i32
    %dma_wait3A_148 = tpu.memref_slice %arg7[%dma_wait3A_147] : memref<1000000xf32, #tpu.memory_space<hbm>> -> memref<1000000xf32, #tpu.memory_space<hbm>>
    tpu.wait_indirect_dma semaphore(%arg47 : memref<!tpu.dma_semaphore, #tpu.memory_space<semaphore_mem>>) src(%dma_wait3A_148 : memref<1000000xf32, #tpu.memory_space<hbm>>) dst(%dma_wait3A_146 : memref<512xf32, #tpu.memory_space<vmem>>)
    %dma_wait3A_149 = arith.constant 1024 : i32
    %dma_wait3A_150 = tpu.memref_slice %arg42[%dma_wait3A_149] : memref<8192xf32, #tpu.memory_space<vmem>> -> memref<512xf32, #tpu.memory_space<vmem>>
    %dma_wait3A_151 = arith.constant 0 : i32
    %dma_wait3A_152 = tpu.memref_slice %arg23[%dma_wait3A_151] : memref<1000000xf32, #tpu.memory_space<hbm>> -> memref<1000000xf32, #tpu.memory_space<hbm>>
    tpu.wait_indirect_dma semaphore(%arg47 : memref<!tpu.dma_semaphore, #tpu.memory_space<semaphore_mem>>) src(%dma_wait3A_152 : memref<1000000xf32, #tpu.memory_space<hbm>>) dst(%dma_wait3A_150 : memref<512xf32, #tpu.memory_space<vmem>>)
    %dma_wait3A_153 = arith.constant 1536 : i32
    %dma_wait3A_154 = tpu.memref_slice %arg41[%dma_wait3A_153] : memref<8192xf32, #tpu.memory_space<vmem>> -> memref<512xf32, #tpu.memory_space<vmem>>
    %dma_wait3A_155 = arith.constant 0 : i32
    %dma_wait3A_156 = tpu.memref_slice %arg8[%dma_wait3A_155] : memref<1000000xf32, #tpu.memory_space<hbm>> -> memref<1000000xf32, #tpu.memory_space<hbm>>
    tpu.wait_indirect_dma semaphore(%arg47 : memref<!tpu.dma_semaphore, #tpu.memory_space<semaphore_mem>>) src(%dma_wait3A_156 : memref<1000000xf32, #tpu.memory_space<hbm>>) dst(%dma_wait3A_154 : memref<512xf32, #tpu.memory_space<vmem>>)
    %dma_wait3A_157 = arith.constant 1536 : i32
    %dma_wait3A_158 = tpu.memref_slice %arg42[%dma_wait3A_157] : memref<8192xf32, #tpu.memory_space<vmem>> -> memref<512xf32, #tpu.memory_space<vmem>>
    %dma_wait3A_159 = arith.constant 0 : i32
    %dma_wait3A_160 = tpu.memref_slice %arg24[%dma_wait3A_159] : memref<1000000xf32, #tpu.memory_space<hbm>> -> memref<1000000xf32, #tpu.memory_space<hbm>>
    tpu.wait_indirect_dma semaphore(%arg47 : memref<!tpu.dma_semaphore, #tpu.memory_space<semaphore_mem>>) src(%dma_wait3A_160 : memref<1000000xf32, #tpu.memory_space<hbm>>) dst(%dma_wait3A_158 : memref<512xf32, #tpu.memory_space<vmem>>)
    %dma_wait3A_161 = arith.constant 2048 : i32
    %dma_wait3A_162 = tpu.memref_slice %arg41[%dma_wait3A_161] : memref<8192xf32, #tpu.memory_space<vmem>> -> memref<512xf32, #tpu.memory_space<vmem>>
    %dma_wait3A_163 = arith.constant 0 : i32
    %dma_wait3A_164 = tpu.memref_slice %arg9[%dma_wait3A_163] : memref<1000000xf32, #tpu.memory_space<hbm>> -> memref<1000000xf32, #tpu.memory_space<hbm>>
    tpu.wait_indirect_dma semaphore(%arg47 : memref<!tpu.dma_semaphore, #tpu.memory_space<semaphore_mem>>) src(%dma_wait3A_164 : memref<1000000xf32, #tpu.memory_space<hbm>>) dst(%dma_wait3A_162 : memref<512xf32, #tpu.memory_space<vmem>>)
    %dma_wait3A_165 = arith.constant 2048 : i32
    %dma_wait3A_166 = tpu.memref_slice %arg42[%dma_wait3A_165] : memref<8192xf32, #tpu.memory_space<vmem>> -> memref<512xf32, #tpu.memory_space<vmem>>
    %dma_wait3A_167 = arith.constant 0 : i32
    %dma_wait3A_168 = tpu.memref_slice %arg25[%dma_wait3A_167] : memref<1000000xf32, #tpu.memory_space<hbm>> -> memref<1000000xf32, #tpu.memory_space<hbm>>
    tpu.wait_indirect_dma semaphore(%arg47 : memref<!tpu.dma_semaphore, #tpu.memory_space<semaphore_mem>>) src(%dma_wait3A_168 : memref<1000000xf32, #tpu.memory_space<hbm>>) dst(%dma_wait3A_166 : memref<512xf32, #tpu.memory_space<vmem>>)
    %dma_wait3A_169 = arith.constant 2560 : i32
    %dma_wait3A_170 = tpu.memref_slice %arg41[%dma_wait3A_169] : memref<8192xf32, #tpu.memory_space<vmem>> -> memref<512xf32, #tpu.memory_space<vmem>>
    %dma_wait3A_171 = arith.constant 0 : i32
    %dma_wait3A_172 = tpu.memref_slice %arg10[%dma_wait3A_171] : memref<1000000xf32, #tpu.memory_space<hbm>> -> memref<1000000xf32, #tpu.memory_space<hbm>>
    tpu.wait_indirect_dma semaphore(%arg47 : memref<!tpu.dma_semaphore, #tpu.memory_space<semaphore_mem>>) src(%dma_wait3A_172 : memref<1000000xf32, #tpu.memory_space<hbm>>) dst(%dma_wait3A_170 : memref<512xf32, #tpu.memory_space<vmem>>)
    %dma_wait3A_173 = arith.constant 2560 : i32
    %dma_wait3A_174 = tpu.memref_slice %arg42[%dma_wait3A_173] : memref<8192xf32, #tpu.memory_space<vmem>> -> memref<512xf32, #tpu.memory_space<vmem>>
    %dma_wait3A_175 = arith.constant 0 : i32
    %dma_wait3A_176 = tpu.memref_slice %arg26[%dma_wait3A_175] : memref<1000000xf32, #tpu.memory_space<hbm>> -> memref<1000000xf32, #tpu.memory_space<hbm>>
    tpu.wait_indirect_dma semaphore(%arg47 : memref<!tpu.dma_semaphore, #tpu.memory_space<semaphore_mem>>) src(%dma_wait3A_176 : memref<1000000xf32, #tpu.memory_space<hbm>>) dst(%dma_wait3A_174 : memref<512xf32, #tpu.memory_space<vmem>>)
    %dma_wait3A_177 = arith.constant 3072 : i32
    %dma_wait3A_178 = tpu.memref_slice %arg41[%dma_wait3A_177] : memref<8192xf32, #tpu.memory_space<vmem>> -> memref<512xf32, #tpu.memory_space<vmem>>
    %dma_wait3A_179 = arith.constant 0 : i32
    %dma_wait3A_180 = tpu.memref_slice %arg11[%dma_wait3A_179] : memref<1000000xf32, #tpu.memory_space<hbm>> -> memref<1000000xf32, #tpu.memory_space<hbm>>
    tpu.wait_indirect_dma semaphore(%arg47 : memref<!tpu.dma_semaphore, #tpu.memory_space<semaphore_mem>>) src(%dma_wait3A_180 : memref<1000000xf32, #tpu.memory_space<hbm>>) dst(%dma_wait3A_178 : memref<512xf32, #tpu.memory_space<vmem>>)
    %dma_wait3A_181 = arith.constant 3072 : i32
    %dma_wait3A_182 = tpu.memref_slice %arg42[%dma_wait3A_181] : memref<8192xf32, #tpu.memory_space<vmem>> -> memref<512xf32, #tpu.memory_space<vmem>>
    %dma_wait3A_183 = arith.constant 0 : i32
    %dma_wait3A_184 = tpu.memref_slice %arg27[%dma_wait3A_183] : memref<1000000xf32, #tpu.memory_space<hbm>> -> memref<1000000xf32, #tpu.memory_space<hbm>>
    tpu.wait_indirect_dma semaphore(%arg47 : memref<!tpu.dma_semaphore, #tpu.memory_space<semaphore_mem>>) src(%dma_wait3A_184 : memref<1000000xf32, #tpu.memory_space<hbm>>) dst(%dma_wait3A_182 : memref<512xf32, #tpu.memory_space<vmem>>)
    %dma_wait3A_185 = arith.constant 3584 : i32
    %dma_wait3A_186 = tpu.memref_slice %arg41[%dma_wait3A_185] : memref<8192xf32, #tpu.memory_space<vmem>> -> memref<512xf32, #tpu.memory_space<vmem>>
    %dma_wait3A_187 = arith.constant 0 : i32
    %dma_wait3A_188 = tpu.memref_slice %arg12[%dma_wait3A_187] : memref<1000000xf32, #tpu.memory_space<hbm>> -> memref<1000000xf32, #tpu.memory_space<hbm>>
    tpu.wait_indirect_dma semaphore(%arg47 : memref<!tpu.dma_semaphore, #tpu.memory_space<semaphore_mem>>) src(%dma_wait3A_188 : memref<1000000xf32, #tpu.memory_space<hbm>>) dst(%dma_wait3A_186 : memref<512xf32, #tpu.memory_space<vmem>>)
    %dma_wait3A_189 = arith.constant 3584 : i32
    %dma_wait3A_190 = tpu.memref_slice %arg42[%dma_wait3A_189] : memref<8192xf32, #tpu.memory_space<vmem>> -> memref<512xf32, #tpu.memory_space<vmem>>
    %dma_wait3A_191 = arith.constant 0 : i32
    %dma_wait3A_192 = tpu.memref_slice %arg28[%dma_wait3A_191] : memref<1000000xf32, #tpu.memory_space<hbm>> -> memref<1000000xf32, #tpu.memory_space<hbm>>
    tpu.wait_indirect_dma semaphore(%arg47 : memref<!tpu.dma_semaphore, #tpu.memory_space<semaphore_mem>>) src(%dma_wait3A_192 : memref<1000000xf32, #tpu.memory_space<hbm>>) dst(%dma_wait3A_190 : memref<512xf32, #tpu.memory_space<vmem>>)
    %dma_wait3A_193 = arith.constant 4096 : i32
    %dma_wait3A_194 = tpu.memref_slice %arg41[%dma_wait3A_193] : memref<8192xf32, #tpu.memory_space<vmem>> -> memref<512xf32, #tpu.memory_space<vmem>>
    %dma_wait3A_195 = arith.constant 0 : i32
    %dma_wait3A_196 = tpu.memref_slice %arg13[%dma_wait3A_195] : memref<1000000xf32, #tpu.memory_space<hbm>> -> memref<1000000xf32, #tpu.memory_space<hbm>>
    tpu.wait_indirect_dma semaphore(%arg47 : memref<!tpu.dma_semaphore, #tpu.memory_space<semaphore_mem>>) src(%dma_wait3A_196 : memref<1000000xf32, #tpu.memory_space<hbm>>) dst(%dma_wait3A_194 : memref<512xf32, #tpu.memory_space<vmem>>)
    %dma_wait3A_197 = arith.constant 4096 : i32
    %dma_wait3A_198 = tpu.memref_slice %arg42[%dma_wait3A_197] : memref<8192xf32, #tpu.memory_space<vmem>> -> memref<512xf32, #tpu.memory_space<vmem>>
    %dma_wait3A_199 = arith.constant 0 : i32
    %dma_wait3A_200 = tpu.memref_slice %arg29[%dma_wait3A_199] : memref<1000000xf32, #tpu.memory_space<hbm>> -> memref<1000000xf32, #tpu.memory_space<hbm>>
    tpu.wait_indirect_dma semaphore(%arg47 : memref<!tpu.dma_semaphore, #tpu.memory_space<semaphore_mem>>) src(%dma_wait3A_200 : memref<1000000xf32, #tpu.memory_space<hbm>>) dst(%dma_wait3A_198 : memref<512xf32, #tpu.memory_space<vmem>>)
    %dma_wait3A_201 = arith.constant 4608 : i32
    %dma_wait3A_202 = tpu.memref_slice %arg41[%dma_wait3A_201] : memref<8192xf32, #tpu.memory_space<vmem>> -> memref<512xf32, #tpu.memory_space<vmem>>
    %dma_wait3A_203 = arith.constant 0 : i32
    %dma_wait3A_204 = tpu.memref_slice %arg14[%dma_wait3A_203] : memref<1000000xf32, #tpu.memory_space<hbm>> -> memref<1000000xf32, #tpu.memory_space<hbm>>
    tpu.wait_indirect_dma semaphore(%arg47 : memref<!tpu.dma_semaphore, #tpu.memory_space<semaphore_mem>>) src(%dma_wait3A_204 : memref<1000000xf32, #tpu.memory_space<hbm>>) dst(%dma_wait3A_202 : memref<512xf32, #tpu.memory_space<vmem>>)
    %dma_wait3A_205 = arith.constant 4608 : i32
    %dma_wait3A_206 = tpu.memref_slice %arg42[%dma_wait3A_205] : memref<8192xf32, #tpu.memory_space<vmem>> -> memref<512xf32, #tpu.memory_space<vmem>>
    %dma_wait3A_207 = arith.constant 0 : i32
    %dma_wait3A_208 = tpu.memref_slice %arg30[%dma_wait3A_207] : memref<1000000xf32, #tpu.memory_space<hbm>> -> memref<1000000xf32, #tpu.memory_space<hbm>>
    tpu.wait_indirect_dma semaphore(%arg47 : memref<!tpu.dma_semaphore, #tpu.memory_space<semaphore_mem>>) src(%dma_wait3A_208 : memref<1000000xf32, #tpu.memory_space<hbm>>) dst(%dma_wait3A_206 : memref<512xf32, #tpu.memory_space<vmem>>)
    %dma_wait3A_209 = arith.constant 5120 : i32
    %dma_wait3A_210 = tpu.memref_slice %arg41[%dma_wait3A_209] : memref<8192xf32, #tpu.memory_space<vmem>> -> memref<512xf32, #tpu.memory_space<vmem>>
    %dma_wait3A_211 = arith.constant 0 : i32
    %dma_wait3A_212 = tpu.memref_slice %arg15[%dma_wait3A_211] : memref<1000000xf32, #tpu.memory_space<hbm>> -> memref<1000000xf32, #tpu.memory_space<hbm>>
    tpu.wait_indirect_dma semaphore(%arg47 : memref<!tpu.dma_semaphore, #tpu.memory_space<semaphore_mem>>) src(%dma_wait3A_212 : memref<1000000xf32, #tpu.memory_space<hbm>>) dst(%dma_wait3A_210 : memref<512xf32, #tpu.memory_space<vmem>>)
    %dma_wait3A_213 = arith.constant 5120 : i32
    %dma_wait3A_214 = tpu.memref_slice %arg42[%dma_wait3A_213] : memref<8192xf32, #tpu.memory_space<vmem>> -> memref<512xf32, #tpu.memory_space<vmem>>
    %dma_wait3A_215 = arith.constant 0 : i32
    %dma_wait3A_216 = tpu.memref_slice %arg31[%dma_wait3A_215] : memref<1000000xf32, #tpu.memory_space<hbm>> -> memref<1000000xf32, #tpu.memory_space<hbm>>
    tpu.wait_indirect_dma semaphore(%arg47 : memref<!tpu.dma_semaphore, #tpu.memory_space<semaphore_mem>>) src(%dma_wait3A_216 : memref<1000000xf32, #tpu.memory_space<hbm>>) dst(%dma_wait3A_214 : memref<512xf32, #tpu.memory_space<vmem>>)
    %dma_wait3A_217 = arith.constant 5632 : i32
    %dma_wait3A_218 = tpu.memref_slice %arg41[%dma_wait3A_217] : memref<8192xf32, #tpu.memory_space<vmem>> -> memref<512xf32, #tpu.memory_space<vmem>>
    %dma_wait3A_219 = arith.constant 0 : i32
    %dma_wait3A_220 = tpu.memref_slice %arg16[%dma_wait3A_219] : memref<1000000xf32, #tpu.memory_space<hbm>> -> memref<1000000xf32, #tpu.memory_space<hbm>>
    tpu.wait_indirect_dma semaphore(%arg47 : memref<!tpu.dma_semaphore, #tpu.memory_space<semaphore_mem>>) src(%dma_wait3A_220 : memref<1000000xf32, #tpu.memory_space<hbm>>) dst(%dma_wait3A_218 : memref<512xf32, #tpu.memory_space<vmem>>)
    %dma_wait3A_221 = arith.constant 5632 : i32
    %dma_wait3A_222 = tpu.memref_slice %arg42[%dma_wait3A_221] : memref<8192xf32, #tpu.memory_space<vmem>> -> memref<512xf32, #tpu.memory_space<vmem>>
    %dma_wait3A_223 = arith.constant 0 : i32
    %dma_wait3A_224 = tpu.memref_slice %arg32[%dma_wait3A_223] : memref<1000000xf32, #tpu.memory_space<hbm>> -> memref<1000000xf32, #tpu.memory_space<hbm>>
    tpu.wait_indirect_dma semaphore(%arg47 : memref<!tpu.dma_semaphore, #tpu.memory_space<semaphore_mem>>) src(%dma_wait3A_224 : memref<1000000xf32, #tpu.memory_space<hbm>>) dst(%dma_wait3A_222 : memref<512xf32, #tpu.memory_space<vmem>>)
    %dma_wait3A_225 = arith.constant 6144 : i32
    %dma_wait3A_226 = tpu.memref_slice %arg41[%dma_wait3A_225] : memref<8192xf32, #tpu.memory_space<vmem>> -> memref<512xf32, #tpu.memory_space<vmem>>
    %dma_wait3A_227 = arith.constant 0 : i32
    %dma_wait3A_228 = tpu.memref_slice %arg17[%dma_wait3A_227] : memref<1000000xf32, #tpu.memory_space<hbm>> -> memref<1000000xf32, #tpu.memory_space<hbm>>
    tpu.wait_indirect_dma semaphore(%arg47 : memref<!tpu.dma_semaphore, #tpu.memory_space<semaphore_mem>>) src(%dma_wait3A_228 : memref<1000000xf32, #tpu.memory_space<hbm>>) dst(%dma_wait3A_226 : memref<512xf32, #tpu.memory_space<vmem>>)
    %dma_wait3A_229 = arith.constant 6144 : i32
    %dma_wait3A_230 = tpu.memref_slice %arg42[%dma_wait3A_229] : memref<8192xf32, #tpu.memory_space<vmem>> -> memref<512xf32, #tpu.memory_space<vmem>>
    %dma_wait3A_231 = arith.constant 0 : i32
    %dma_wait3A_232 = tpu.memref_slice %arg33[%dma_wait3A_231] : memref<1000000xf32, #tpu.memory_space<hbm>> -> memref<1000000xf32, #tpu.memory_space<hbm>>
    tpu.wait_indirect_dma semaphore(%arg47 : memref<!tpu.dma_semaphore, #tpu.memory_space<semaphore_mem>>) src(%dma_wait3A_232 : memref<1000000xf32, #tpu.memory_space<hbm>>) dst(%dma_wait3A_230 : memref<512xf32, #tpu.memory_space<vmem>>)
    %dma_wait3A_233 = arith.constant 6656 : i32
    %dma_wait3A_234 = tpu.memref_slice %arg41[%dma_wait3A_233] : memref<8192xf32, #tpu.memory_space<vmem>> -> memref<512xf32, #tpu.memory_space<vmem>>
    %dma_wait3A_235 = arith.constant 0 : i32
    %dma_wait3A_236 = tpu.memref_slice %arg18[%dma_wait3A_235] : memref<1000000xf32, #tpu.memory_space<hbm>> -> memref<1000000xf32, #tpu.memory_space<hbm>>
    tpu.wait_indirect_dma semaphore(%arg47 : memref<!tpu.dma_semaphore, #tpu.memory_space<semaphore_mem>>) src(%dma_wait3A_236 : memref<1000000xf32, #tpu.memory_space<hbm>>) dst(%dma_wait3A_234 : memref<512xf32, #tpu.memory_space<vmem>>)
    %dma_wait3A_237 = arith.constant 6656 : i32
    %dma_wait3A_238 = tpu.memref_slice %arg42[%dma_wait3A_237] : memref<8192xf32, #tpu.memory_space<vmem>> -> memref<512xf32, #tpu.memory_space<vmem>>
    %dma_wait3A_239 = arith.constant 0 : i32
    %dma_wait3A_240 = tpu.memref_slice %arg34[%dma_wait3A_239] : memref<1000000xf32, #tpu.memory_space<hbm>> -> memref<1000000xf32, #tpu.memory_space<hbm>>
    tpu.wait_indirect_dma semaphore(%arg47 : memref<!tpu.dma_semaphore, #tpu.memory_space<semaphore_mem>>) src(%dma_wait3A_240 : memref<1000000xf32, #tpu.memory_space<hbm>>) dst(%dma_wait3A_238 : memref<512xf32, #tpu.memory_space<vmem>>)
    %dma_wait3A_241 = arith.constant 7168 : i32
    %dma_wait3A_242 = tpu.memref_slice %arg41[%dma_wait3A_241] : memref<8192xf32, #tpu.memory_space<vmem>> -> memref<512xf32, #tpu.memory_space<vmem>>
    %dma_wait3A_243 = arith.constant 0 : i32
    %dma_wait3A_244 = tpu.memref_slice %arg19[%dma_wait3A_243] : memref<1000000xf32, #tpu.memory_space<hbm>> -> memref<1000000xf32, #tpu.memory_space<hbm>>
    tpu.wait_indirect_dma semaphore(%arg47 : memref<!tpu.dma_semaphore, #tpu.memory_space<semaphore_mem>>) src(%dma_wait3A_244 : memref<1000000xf32, #tpu.memory_space<hbm>>) dst(%dma_wait3A_242 : memref<512xf32, #tpu.memory_space<vmem>>)
    %dma_wait3A_245 = arith.constant 7168 : i32
    %dma_wait3A_246 = tpu.memref_slice %arg42[%dma_wait3A_245] : memref<8192xf32, #tpu.memory_space<vmem>> -> memref<512xf32, #tpu.memory_space<vmem>>
    %dma_wait3A_247 = arith.constant 0 : i32
    %dma_wait3A_248 = tpu.memref_slice %arg35[%dma_wait3A_247] : memref<1000000xf32, #tpu.memory_space<hbm>> -> memref<1000000xf32, #tpu.memory_space<hbm>>
    tpu.wait_indirect_dma semaphore(%arg47 : memref<!tpu.dma_semaphore, #tpu.memory_space<semaphore_mem>>) src(%dma_wait3A_248 : memref<1000000xf32, #tpu.memory_space<hbm>>) dst(%dma_wait3A_246 : memref<512xf32, #tpu.memory_space<vmem>>)
    %dma_wait3A_249 = arith.constant 7680 : i32
    %dma_wait3A_250 = tpu.memref_slice %arg41[%dma_wait3A_249] : memref<8192xf32, #tpu.memory_space<vmem>> -> memref<512xf32, #tpu.memory_space<vmem>>
    %dma_wait3A_251 = arith.constant 0 : i32
    %dma_wait3A_252 = tpu.memref_slice %arg20[%dma_wait3A_251] : memref<1000000xf32, #tpu.memory_space<hbm>> -> memref<1000000xf32, #tpu.memory_space<hbm>>
    tpu.wait_indirect_dma semaphore(%arg47 : memref<!tpu.dma_semaphore, #tpu.memory_space<semaphore_mem>>) src(%dma_wait3A_252 : memref<1000000xf32, #tpu.memory_space<hbm>>) dst(%dma_wait3A_250 : memref<512xf32, #tpu.memory_space<vmem>>)
    %dma_wait3A_253 = arith.constant 7680 : i32
    %dma_wait3A_254 = tpu.memref_slice %arg42[%dma_wait3A_253] : memref<8192xf32, #tpu.memory_space<vmem>> -> memref<512xf32, #tpu.memory_space<vmem>>
    %dma_wait3A_255 = arith.constant 0 : i32
    %dma_wait3A_256 = tpu.memref_slice %arg36[%dma_wait3A_255] : memref<1000000xf32, #tpu.memory_space<hbm>> -> memref<1000000xf32, #tpu.memory_space<hbm>>
    tpu.wait_indirect_dma semaphore(%arg47 : memref<!tpu.dma_semaphore, #tpu.memory_space<semaphore_mem>>) src(%dma_wait3A_256 : memref<1000000xf32, #tpu.memory_space<hbm>>) dst(%dma_wait3A_254 : memref<512xf32, #tpu.memory_space<vmem>>)
    %broadcast_in_dim3A = arith.constant 0.000000e+00 : f32
    %broadcast_in_dim3A_257 = vector.broadcast %broadcast_in_dim3A : f32 to vector<16xf32>
    %scan3A = arith.constant 0 : i32
    %scan3A_258 = arith.constant 32 : i32
    %scan3A_259 = arith.addi %scan3A, %scan3A_258 : i32
    %scan3A_260 = arith.constant 1 : i32
    %scan3A_261 = scf.for %scan3A_266 = %scan3A to %scan3A_259 step %scan3A_260 iter_args(%scan3A_267 = %broadcast_in_dim3A_257) -> (vector<16xf32>)  : i32 {
      %mul3A_268 = arith.constant 16 : i32
      %mul3A_269 = arith.muli %scan3A_266, %mul3A_268 : i32
      %broadcast_in_dim3A_270 = arith.constant 0.000000e+00 : f32
      %broadcast_in_dim3A_271 = vector.broadcast %broadcast_in_dim3A_270 : f32 to vector<16xf32>
      %add3A_272 = arith.constant 0 : i32
      %add3A_273 = arith.addi %add3A_272, %mul3A_269 : i32
      %get3A = arith.index_cast %add3A_273 : i32 to index
      %get3A_274 = tpu.vector_load %arg41[%get3A] {strides = array<i32>} : memref<8192xf32, #tpu.memory_space<vmem>>, vector<16xf32>,
      %add3A_275 = arith.constant 0 : i32
      %add3A_276 = arith.addi %add3A_275, %mul3A_269 : i32
      %get3A_277 = arith.index_cast %add3A_276 : i32 to index
      %get3A_278 = tpu.vector_load %arg42[%get3A_277] {strides = array<i32>} : memref<8192xf32, #tpu.memory_space<vmem>>, vector<16xf32>,
      %mul3A_279 = arith.mulf %get3A_274, %get3A_278 : vector<16xf32>
      %add3A_280 = arith.addf %broadcast_in_dim3A_271, %mul3A_279 : vector<16xf32>
      %add3A_281 = arith.constant 512 : i32
      %add3A_282 = arith.addi %add3A_281, %mul3A_269 : i32
      %get3A_283 = arith.index_cast %add3A_282 : i32 to index
      %get3A_284 = tpu.vector_load %arg41[%get3A_283] {strides = array<i32>} : memref<8192xf32, #tpu.memory_space<vmem>>, vector<16xf32>,
      %add3A_285 = arith.constant 512 : i32
      %add3A_286 = arith.addi %add3A_285, %mul3A_269 : i32
      %get3A_287 = arith.index_cast %add3A_286 : i32 to index
      %get3A_288 = tpu.vector_load %arg42[%get3A_287] {strides = array<i32>} : memref<8192xf32, #tpu.memory_space<vmem>>, vector<16xf32>,
      %mul3A_289 = arith.mulf %get3A_284, %get3A_288 : vector<16xf32>
      %add3A_290 = arith.addf %add3A_280, %mul3A_289 : vector<16xf32>
      %add3A_291 = arith.constant 1024 : i32
      %add3A_292 = arith.addi %add3A_291, %mul3A_269 : i32
      %get3A_293 = arith.index_cast %add3A_292 : i32 to index
      %get3A_294 = tpu.vector_load %arg41[%get3A_293] {strides = array<i32>} : memref<8192xf32, #tpu.memory_space<vmem>>, vector<16xf32>,
      %add3A_295 = arith.constant 1024 : i32
      %add3A_296 = arith.addi %add3A_295, %mul3A_269 : i32
      %get3A_297 = arith.index_cast %add3A_296 : i32 to index
      %get3A_298 = tpu.vector_load %arg42[%get3A_297] {strides = array<i32>} : memref<8192xf32, #tpu.memory_space<vmem>>, vector<16xf32>,
      %mul3A_299 = arith.mulf %get3A_294, %get3A_298 : vector<16xf32>
      %add3A_300 = arith.addf %add3A_290, %mul3A_299 : vector<16xf32>
      %add3A_301 = arith.constant 1536 : i32
      %add3A_302 = arith.addi %add3A_301, %mul3A_269 : i32
      %get3A_303 = arith.index_cast %add3A_302 : i32 to index
      %get3A_304 = tpu.vector_load %arg41[%get3A_303] {strides = array<i32>} : memref<8192xf32, #tpu.memory_space<vmem>>, vector<16xf32>,
      %add3A_305 = arith.constant 1536 : i32
      %add3A_306 = arith.addi %add3A_305, %mul3A_269 : i32
      %get3A_307 = arith.index_cast %add3A_306 : i32 to index
      %get3A_308 = tpu.vector_load %arg42[%get3A_307] {strides = array<i32>} : memref<8192xf32, #tpu.memory_space<vmem>>, vector<16xf32>,
      %mul3A_309 = arith.mulf %get3A_304, %get3A_308 : vector<16xf32>
      %add3A_310 = arith.addf %add3A_300, %mul3A_309 : vector<16xf32>
      %add3A_311 = arith.constant 2048 : i32
      %add3A_312 = arith.addi %add3A_311, %mul3A_269 : i32
      %get3A_313 = arith.index_cast %add3A_312 : i32 to index
      %get3A_314 = tpu.vector_load %arg41[%get3A_313] {strides = array<i32>} : memref<8192xf32, #tpu.memory_space<vmem>>, vector<16xf32>,
      %add3A_315 = arith.constant 2048 : i32
      %add3A_316 = arith.addi %add3A_315, %mul3A_269 : i32
      %get3A_317 = arith.index_cast %add3A_316 : i32 to index
      %get3A_318 = tpu.vector_load %arg42[%get3A_317] {strides = array<i32>} : memref<8192xf32, #tpu.memory_space<vmem>>, vector<16xf32>,
      %mul3A_319 = arith.mulf %get3A_314, %get3A_318 : vector<16xf32>
      %add3A_320 = arith.addf %add3A_310, %mul3A_319 : vector<16xf32>
      %add3A_321 = arith.constant 2560 : i32
      %add3A_322 = arith.addi %add3A_321, %mul3A_269 : i32
      %get3A_323 = arith.index_cast %add3A_322 : i32 to index
      %get3A_324 = tpu.vector_load %arg41[%get3A_323] {strides = array<i32>} : memref<8192xf32, #tpu.memory_space<vmem>>, vector<16xf32>,
      %add3A_325 = arith.constant 2560 : i32
      %add3A_326 = arith.addi %add3A_325, %mul3A_269 : i32
      %get3A_327 = arith.index_cast %add3A_326 : i32 to index
      %get3A_328 = tpu.vector_load %arg42[%get3A_327] {strides = array<i32>} : memref<8192xf32, #tpu.memory_space<vmem>>, vector<16xf32>,
      %mul3A_329 = arith.mulf %get3A_324, %get3A_328 : vector<16xf32>
      %add3A_330 = arith.addf %add3A_320, %mul3A_329 : vector<16xf32>
      %add3A_331 = arith.constant 3072 : i32
      %add3A_332 = arith.addi %add3A_331, %mul3A_269 : i32
      %get3A_333 = arith.index_cast %add3A_332 : i32 to index
      %get3A_334 = tpu.vector_load %arg41[%get3A_333] {strides = array<i32>} : memref<8192xf32, #tpu.memory_space<vmem>>, vector<16xf32>,
      %add3A_335 = arith.constant 3072 : i32
      %add3A_336 = arith.addi %add3A_335, %mul3A_269 : i32
      %get3A_337 = arith.index_cast %add3A_336 : i32 to index
      %get3A_338 = tpu.vector_load %arg42[%get3A_337] {strides = array<i32>} : memref<8192xf32, #tpu.memory_space<vmem>>, vector<16xf32>,
      %mul3A_339 = arith.mulf %get3A_334, %get3A_338 : vector<16xf32>
      %add3A_340 = arith.addf %add3A_330, %mul3A_339 : vector<16xf32>
      %add3A_341 = arith.constant 3584 : i32
      %add3A_342 = arith.addi %add3A_341, %mul3A_269 : i32
      %get3A_343 = arith.index_cast %add3A_342 : i32 to index
      %get3A_344 = tpu.vector_load %arg41[%get3A_343] {strides = array<i32>} : memref<8192xf32, #tpu.memory_space<vmem>>, vector<16xf32>,
      %add3A_345 = arith.constant 3584 : i32
      %add3A_346 = arith.addi %add3A_345, %mul3A_269 : i32
      %get3A_347 = arith.index_cast %add3A_346 : i32 to index
      %get3A_348 = tpu.vector_load %arg42[%get3A_347] {strides = array<i32>} : memref<8192xf32, #tpu.memory_space<vmem>>, vector<16xf32>,
      %mul3A_349 = arith.mulf %get3A_344, %get3A_348 : vector<16xf32>
      %add3A_350 = arith.addf %add3A_340, %mul3A_349 : vector<16xf32>
      %add3A_351 = arith.constant 4096 : i32
      %add3A_352 = arith.addi %add3A_351, %mul3A_269 : i32
      %get3A_353 = arith.index_cast %add3A_352 : i32 to index
      %get3A_354 = tpu.vector_load %arg41[%get3A_353] {strides = array<i32>} : memref<8192xf32, #tpu.memory_space<vmem>>, vector<16xf32>,
      %add3A_355 = arith.constant 4096 : i32
      %add3A_356 = arith.addi %add3A_355, %mul3A_269 : i32
      %get3A_357 = arith.index_cast %add3A_356 : i32 to index
      %get3A_358 = tpu.vector_load %arg42[%get3A_357] {strides = array<i32>} : memref<8192xf32, #tpu.memory_space<vmem>>, vector<16xf32>,
      %mul3A_359 = arith.mulf %get3A_354, %get3A_358 : vector<16xf32>
      %add3A_360 = arith.addf %add3A_350, %mul3A_359 : vector<16xf32>
      %add3A_361 = arith.constant 4608 : i32
      %add3A_362 = arith.addi %add3A_361, %mul3A_269 : i32
      %get3A_363 = arith.index_cast %add3A_362 : i32 to index
      %get3A_364 = tpu.vector_load %arg41[%get3A_363] {strides = array<i32>} : memref<8192xf32, #tpu.memory_space<vmem>>, vector<16xf32>,
      %add3A_365 = arith.constant 4608 : i32
      %add3A_366 = arith.addi %add3A_365, %mul3A_269 : i32
      %get3A_367 = arith.index_cast %add3A_366 : i32 to index
      %get3A_368 = tpu.vector_load %arg42[%get3A_367] {strides = array<i32>} : memref<8192xf32, #tpu.memory_space<vmem>>, vector<16xf32>,
      %mul3A_369 = arith.mulf %get3A_364, %get3A_368 : vector<16xf32>
      %add3A_370 = arith.addf %add3A_360, %mul3A_369 : vector<16xf32>
      %add3A_371 = arith.constant 5120 : i32
      %add3A_372 = arith.addi %add3A_371, %mul3A_269 : i32
      %get3A_373 = arith.index_cast %add3A_372 : i32 to index
      %get3A_374 = tpu.vector_load %arg41[%get3A_373] {strides = array<i32>} : memref<8192xf32, #tpu.memory_space<vmem>>, vector<16xf32>,
      %add3A_375 = arith.constant 5120 : i32
      %add3A_376 = arith.addi %add3A_375, %mul3A_269 : i32
      %get3A_377 = arith.index_cast %add3A_376 : i32 to index
      %get3A_378 = tpu.vector_load %arg42[%get3A_377] {strides = array<i32>} : memref<8192xf32, #tpu.memory_space<vmem>>, vector<16xf32>,
      %mul3A_379 = arith.mulf %get3A_374, %get3A_378 : vector<16xf32>
      %add3A_380 = arith.addf %add3A_370, %mul3A_379 : vector<16xf32>
      %add3A_381 = arith.constant 5632 : i32
      %add3A_382 = arith.addi %add3A_381, %mul3A_269 : i32
      %get3A_383 = arith.index_cast %add3A_382 : i32 to index
      %get3A_384 = tpu.vector_load %arg41[%get3A_383] {strides = array<i32>} : memref<8192xf32, #tpu.memory_space<vmem>>, vector<16xf32>,
      %add3A_385 = arith.constant 5632 : i32
      %add3A_386 = arith.addi %add3A_385, %mul3A_269 : i32
      %get3A_387 = arith.index_cast %add3A_386 : i32 to index
      %get3A_388 = tpu.vector_load %arg42[%get3A_387] {strides = array<i32>} : memref<8192xf32, #tpu.memory_space<vmem>>, vector<16xf32>,
      %mul3A_389 = arith.mulf %get3A_384, %get3A_388 : vector<16xf32>
      %add3A_390 = arith.addf %add3A_380, %mul3A_389 : vector<16xf32>
      %add3A_391 = arith.constant 6144 : i32
      %add3A_392 = arith.addi %add3A_391, %mul3A_269 : i32
      %get3A_393 = arith.index_cast %add3A_392 : i32 to index
      %get3A_394 = tpu.vector_load %arg41[%get3A_393] {strides = array<i32>} : memref<8192xf32, #tpu.memory_space<vmem>>, vector<16xf32>,
      %add3A_395 = arith.constant 6144 : i32
      %add3A_396 = arith.addi %add3A_395, %mul3A_269 : i32
      %get3A_397 = arith.index_cast %add3A_396 : i32 to index
      %get3A_398 = tpu.vector_load %arg42[%get3A_397] {strides = array<i32>} : memref<8192xf32, #tpu.memory_space<vmem>>, vector<16xf32>,
      %mul3A_399 = arith.mulf %get3A_394, %get3A_398 : vector<16xf32>
      %add3A_400 = arith.addf %add3A_390, %mul3A_399 : vector<16xf32>
      %add3A_401 = arith.constant 6656 : i32
      %add3A_402 = arith.addi %add3A_401, %mul3A_269 : i32
      %get3A_403 = arith.index_cast %add3A_402 : i32 to index
      %get3A_404 = tpu.vector_load %arg41[%get3A_403] {strides = array<i32>} : memref<8192xf32, #tpu.memory_space<vmem>>, vector<16xf32>,
      %add3A_405 = arith.constant 6656 : i32
      %add3A_406 = arith.addi %add3A_405, %mul3A_269 : i32
      %get3A_407 = arith.index_cast %add3A_406 : i32 to index
      %get3A_408 = tpu.vector_load %arg42[%get3A_407] {strides = array<i32>} : memref<8192xf32, #tpu.memory_space<vmem>>, vector<16xf32>,
      %mul3A_409 = arith.mulf %get3A_404, %get3A_408 : vector<16xf32>
      %add3A_410 = arith.addf %add3A_400, %mul3A_409 : vector<16xf32>
      %add3A_411 = arith.constant 7168 : i32
      %add3A_412 = arith.addi %add3A_411, %mul3A_269 : i32
      %get3A_413 = arith.index_cast %add3A_412 : i32 to index
      %get3A_414 = tpu.vector_load %arg41[%get3A_413] {strides = array<i32>} : memref<8192xf32, #tpu.memory_space<vmem>>, vector<16xf32>,
      %add3A_415 = arith.constant 7168 : i32
      %add3A_416 = arith.addi %add3A_415, %mul3A_269 : i32
      %get3A_417 = arith.index_cast %add3A_416 : i32 to index
      %get3A_418 = tpu.vector_load %arg42[%get3A_417] {strides = array<i32>} : memref<8192xf32, #tpu.memory_space<vmem>>, vector<16xf32>,
      %mul3A_419 = arith.mulf %get3A_414, %get3A_418 : vector<16xf32>
      %add3A_420 = arith.addf %add3A_410, %mul3A_419 : vector<16xf32>
      %add3A_421 = arith.constant 7680 : i32
      %add3A_422 = arith.addi %add3A_421, %mul3A_269 : i32
      %get3A_423 = arith.index_cast %add3A_422 : i32 to index
      %get3A_424 = tpu.vector_load %arg41[%get3A_423] {strides = array<i32>} : memref<8192xf32, #tpu.memory_space<vmem>>, vector<16xf32>,
      %add3A_425 = arith.constant 7680 : i32
      %add3A_426 = arith.addi %add3A_425, %mul3A_269 : i32
      %get3A_427 = arith.index_cast %add3A_426 : i32 to index
      %get3A_428 = tpu.vector_load %arg42[%get3A_427] {strides = array<i32>} : memref<8192xf32, #tpu.memory_space<vmem>>, vector<16xf32>,
      %mul3A_429 = arith.mulf %get3A_424, %get3A_428 : vector<16xf32>
      %add3A_430 = arith.addf %add3A_420, %mul3A_429 : vector<16xf32>
      %get3A_431 = arith.index_cast %mul3A_269 : i32 to index
      %get3A_432 = tpu.vector_load %arg40[%get3A_431] {strides = array<i32>} : memref<512xf32, #tpu.memory_space<vmem>>, vector<16xf32>,
      %add3A_433 = arith.addf %get3A_432, %add3A_430 : vector<16xf32>
      %mul3A_434 = arith.mulf %add3A_433, %add3A_433 : vector<16xf32>
      %add3A_435 = arith.addf %scan3A_267, %mul3A_434 : vector<16xf32>
      scf.yield %add3A_435 : vector<16xf32>
    }
    %scan3A_262 = arith.constant 32 : i32
    %swap3A = arith.constant 0 : index
    %swap3A_263 = tpu.vector_load %arg43[%swap3A] {strides = array<i32>} : memref<16xf32, #tpu.memory_space<vmem>>, vector<16xf32>,
    tpu.vector_store %arg43[%swap3A], %scan3A_261 {strides = array<i32>} : memref<16xf32, #tpu.memory_space<vmem>>, vector<16xf32>,
    "tpu.region"() ({
      %run_scoped3A = tpu.sem_alloc : memref<!tpu.dma_semaphore, #tpu.memory_space<semaphore_mem>>
      %dma_start3A_266 = arith.constant 0 : i32
      %dma_start3A_267 = tpu.memref_slice %arg46[%arg1, %dma_start3A_266] : memref<16x16xf32, #tpu.memory_space<vmem_shared>> -> memref<1x16xf32, #tpu.memory_space<vmem_shared>>
      %dma_start3A_268 = tpu.memref_squeeze %dma_start3A_267 : memref<1x16xf32, #tpu.memory_space<vmem_shared>> -> memref<16xf32, #tpu.memory_space<vmem_shared>>
      %dma_start3A_269 = arith.constant 0 : i32
      %dma_start3A_270 = tpu.memref_slice %arg46[%arg1, %dma_start3A_269] : memref<16x16xf32, #tpu.memory_space<vmem_shared>> -> memref<1x16xf32, #tpu.memory_space<vmem_shared>>
      %dma_start3A_271 = tpu.memref_squeeze %dma_start3A_270 : memref<1x16xf32, #tpu.memory_space<vmem_shared>> -> memref<16xf32, #tpu.memory_space<vmem_shared>>
      tpu.enqueue_dma source(%arg43 : memref<16xf32, #tpu.memory_space<vmem>>) target(%dma_start3A_271 : memref<16xf32, #tpu.memory_space<vmem_shared>>) target_semaphore(%run_scoped3A : memref<!tpu.dma_semaphore, #tpu.memory_space<semaphore_mem>>)
      %dma_wait3A_272 = arith.constant 0 : i32
      %dma_wait3A_273 = tpu.memref_slice %arg46[%arg1, %dma_wait3A_272] : memref<16x16xf32, #tpu.memory_space<vmem_shared>> -> memref<1x16xf32, #tpu.memory_space<vmem_shared>>
      %dma_wait3A_274 = tpu.memref_squeeze %dma_wait3A_273 : memref<1x16xf32, #tpu.memory_space<vmem_shared>> -> memref<16xf32, #tpu.memory_space<vmem_shared>>
      %dma_wait3A_275 = arith.constant 0 : i32
      %dma_wait3A_276 = tpu.memref_slice %arg46[%arg1, %dma_wait3A_275] : memref<16x16xf32, #tpu.memory_space<vmem_shared>> -> memref<1x16xf32, #tpu.memory_space<vmem_shared>>
      %dma_wait3A_277 = tpu.memref_squeeze %dma_wait3A_276 : memref<1x16xf32, #tpu.memory_space<vmem_shared>> -> memref<16xf32, #tpu.memory_space<vmem_shared>>
      tpu.wait_dma2 semaphore(%run_scoped3A : memref<!tpu.dma_semaphore, #tpu.memory_space<semaphore_mem>>) src(%arg43 : memref<16xf32, #tpu.memory_space<vmem>>) dst(%dma_wait3A_277 : memref<16xf32, #tpu.memory_space<vmem_shared>>)
      tpu.yield
    }) : () -> ()
    %barrier3A = arith.constant 0 : index
    tpu.barrier barrier_id(%barrier3A)
    %eq3A = arith.constant 0 : i32
    %eq3A_264 = arith.cmpi eq, %arg1, %eq3A : i32
    %convert_element_type3A = arith.extui %eq3A_264 : i1 to i32
    %cond3A = arith.constant 0 : i32
    %cond3A_265 = arith.cmpi ne, %convert_element_type3A, %cond3A : i32
    scf.if %cond3A_265 {
      "tpu.region"() ({
        %run_scoped3A = tpu.sem_alloc : memref<!tpu.dma_semaphore, #tpu.memory_space<semaphore_mem>>
        tpu.enqueue_dma source(%arg46 : memref<16x16xf32, #tpu.memory_space<vmem_shared>>) target(%arg45 : memref<16x16xf32, #tpu.memory_space<vmem>>) target_semaphore(%run_scoped3A : memref<!tpu.dma_semaphore, #tpu.memory_space<semaphore_mem>>)
        tpu.wait_dma2 semaphore(%run_scoped3A : memref<!tpu.dma_semaphore, #tpu.memory_space<semaphore_mem>>) src(%arg46 : memref<16x16xf32, #tpu.memory_space<vmem_shared>>) dst(%arg45 : memref<16x16xf32, #tpu.memory_space<vmem>>)
        tpu.yield
      }) : () -> ()
      %broadcast_in_dim3A_266 = arith.constant 0.000000e+00 : f32
      %broadcast_in_dim3A_267 = vector.broadcast %broadcast_in_dim3A_266 : f32 to vector<16xf32>
      %get3A = arith.constant 0 : i32
      %get3A_268 = arith.index_cast %get3A : i32 to index
      %get3A_269 = arith.constant 0 : index
      %get3A_270 = tpu.vector_load %arg45[%get3A_268, %get3A_269] {strides = array<i32>} : memref<16x16xf32, #tpu.memory_space<vmem>>, vector<16xf32>,
      %add3A_271 = arith.addf %broadcast_in_dim3A_267, %get3A_270 : vector<16xf32>
      %get3A_272 = arith.constant 1 : i32
      %get3A_273 = arith.index_cast %get3A_272 : i32 to index
      %get3A_274 = arith.constant 0 : index
      %get3A_275 = tpu.vector_load %arg45[%get3A_273, %get3A_274] {strides = array<i32>} : memref<16x16xf32, #tpu.memory_space<vmem>>, vector<16xf32>,
      %add3A_276 = arith.addf %add3A_271, %get3A_275 : vector<16xf32>
      %get3A_277 = arith.constant 2 : i32
      %get3A_278 = arith.index_cast %get3A_277 : i32 to index
      %get3A_279 = arith.constant 0 : index
      %get3A_280 = tpu.vector_load %arg45[%get3A_278, %get3A_279] {strides = array<i32>} : memref<16x16xf32, #tpu.memory_space<vmem>>, vector<16xf32>,
      %add3A_281 = arith.addf %add3A_276, %get3A_280 : vector<16xf32>
      %get3A_282 = arith.constant 3 : i32
      %get3A_283 = arith.index_cast %get3A_282 : i32 to index
      %get3A_284 = arith.constant 0 : index
      %get3A_285 = tpu.vector_load %arg45[%get3A_283, %get3A_284] {strides = array<i32>} : memref<16x16xf32, #tpu.memory_space<vmem>>, vector<16xf32>,
      %add3A_286 = arith.addf %add3A_281, %get3A_285 : vector<16xf32>
      %get3A_287 = arith.constant 4 : i32
      %get3A_288 = arith.index_cast %get3A_287 : i32 to index
      %get3A_289 = arith.constant 0 : index
      %get3A_290 = tpu.vector_load %arg45[%get3A_288, %get3A_289] {strides = array<i32>} : memref<16x16xf32, #tpu.memory_space<vmem>>, vector<16xf32>,
      %add3A_291 = arith.addf %add3A_286, %get3A_290 : vector<16xf32>
      %get3A_292 = arith.constant 5 : i32
      %get3A_293 = arith.index_cast %get3A_292 : i32 to index
      %get3A_294 = arith.constant 0 : index
      %get3A_295 = tpu.vector_load %arg45[%get3A_293, %get3A_294] {strides = array<i32>} : memref<16x16xf32, #tpu.memory_space<vmem>>, vector<16xf32>,
      %add3A_296 = arith.addf %add3A_291, %get3A_295 : vector<16xf32>
      %get3A_297 = arith.constant 6 : i32
      %get3A_298 = arith.index_cast %get3A_297 : i32 to index
      %get3A_299 = arith.constant 0 : index
      %get3A_300 = tpu.vector_load %arg45[%get3A_298, %get3A_299] {strides = array<i32>} : memref<16x16xf32, #tpu.memory_space<vmem>>, vector<16xf32>,
      %add3A_301 = arith.addf %add3A_296, %get3A_300 : vector<16xf32>
      %get3A_302 = arith.constant 7 : i32
      %get3A_303 = arith.index_cast %get3A_302 : i32 to index
      %get3A_304 = arith.constant 0 : index
      %get3A_305 = tpu.vector_load %arg45[%get3A_303, %get3A_304] {strides = array<i32>} : memref<16x16xf32, #tpu.memory_space<vmem>>, vector<16xf32>,
      %add3A_306 = arith.addf %add3A_301, %get3A_305 : vector<16xf32>
      %get3A_307 = arith.constant 8 : i32
      %get3A_308 = arith.index_cast %get3A_307 : i32 to index
      %get3A_309 = arith.constant 0 : index
      %get3A_310 = tpu.vector_load %arg45[%get3A_308, %get3A_309] {strides = array<i32>} : memref<16x16xf32, #tpu.memory_space<vmem>>, vector<16xf32>,
      %add3A_311 = arith.addf %add3A_306, %get3A_310 : vector<16xf32>
      %get3A_312 = arith.constant 9 : i32
      %get3A_313 = arith.index_cast %get3A_312 : i32 to index
      %get3A_314 = arith.constant 0 : index
      %get3A_315 = tpu.vector_load %arg45[%get3A_313, %get3A_314] {strides = array<i32>} : memref<16x16xf32, #tpu.memory_space<vmem>>, vector<16xf32>,
      %add3A_316 = arith.addf %add3A_311, %get3A_315 : vector<16xf32>
      %get3A_317 = arith.constant 10 : i32
      %get3A_318 = arith.index_cast %get3A_317 : i32 to index
      %get3A_319 = arith.constant 0 : index
      %get3A_320 = tpu.vector_load %arg45[%get3A_318, %get3A_319] {strides = array<i32>} : memref<16x16xf32, #tpu.memory_space<vmem>>, vector<16xf32>,
      %add3A_321 = arith.addf %add3A_316, %get3A_320 : vector<16xf32>
      %get3A_322 = arith.constant 11 : i32
      %get3A_323 = arith.index_cast %get3A_322 : i32 to index
      %get3A_324 = arith.constant 0 : index
      %get3A_325 = tpu.vector_load %arg45[%get3A_323, %get3A_324] {strides = array<i32>} : memref<16x16xf32, #tpu.memory_space<vmem>>, vector<16xf32>,
      %add3A_326 = arith.addf %add3A_321, %get3A_325 : vector<16xf32>
      %get3A_327 = arith.constant 12 : i32
      %get3A_328 = arith.index_cast %get3A_327 : i32 to index
      %get3A_329 = arith.constant 0 : index
      %get3A_330 = tpu.vector_load %arg45[%get3A_328, %get3A_329] {strides = array<i32>} : memref<16x16xf32, #tpu.memory_space<vmem>>, vector<16xf32>,
      %add3A_331 = arith.addf %add3A_326, %get3A_330 : vector<16xf32>
      %get3A_332 = arith.constant 13 : i32
      %get3A_333 = arith.index_cast %get3A_332 : i32 to index
      %get3A_334 = arith.constant 0 : index
      %get3A_335 = tpu.vector_load %arg45[%get3A_333, %get3A_334] {strides = array<i32>} : memref<16x16xf32, #tpu.memory_space<vmem>>, vector<16xf32>,
      %add3A_336 = arith.addf %add3A_331, %get3A_335 : vector<16xf32>
      %get3A_337 = arith.constant 14 : i32
      %get3A_338 = arith.index_cast %get3A_337 : i32 to index
      %get3A_339 = arith.constant 0 : index
      %get3A_340 = tpu.vector_load %arg45[%get3A_338, %get3A_339] {strides = array<i32>} : memref<16x16xf32, #tpu.memory_space<vmem>>, vector<16xf32>,
      %add3A_341 = arith.addf %add3A_336, %get3A_340 : vector<16xf32>
      %get3A_342 = arith.constant 15 : i32
      %get3A_343 = arith.index_cast %get3A_342 : i32 to index
      %get3A_344 = arith.constant 0 : index
      %get3A_345 = tpu.vector_load %arg45[%get3A_343, %get3A_344] {strides = array<i32>} : memref<16x16xf32, #tpu.memory_space<vmem>>, vector<16xf32>,
      %add3A_346 = arith.addf %add3A_341, %get3A_345 : vector<16xf32>
      %reduce_sum3A = arith.constant true
      %reduce_sum3A_347 = vector.broadcast %reduce_sum3A : i1 to vector<16xi1>
      %reduce_sum3A_348 = tpu.scan <sum>, %add3A_346 masked %reduce_sum3A_347 : vector<16xf32>, vector<16xi1> -> vector<16xf32>
      %reduce_sum3A_349 = vector.extract %reduce_sum3A_348[15] : f32 from vector<16xf32>
      %mul3A_350 = arith.constant 3.05175781E-5 : f32
      %mul3A_351 = arith.mulf %reduce_sum3A_349, %mul3A_350 : f32
      %broadcast_in_dim3A_352 = vector.broadcast %mul3A_351 : f32 to vector<16xf32>
      %swap3A_353 = arith.constant 0 : index
      %swap3A_354 = tpu.vector_load %arg44[%swap3A_353] {strides = array<i32>} : memref<16xf32, #tpu.memory_space<vmem>>, vector<16xf32>,
      tpu.vector_store %arg44[%swap3A_353], %broadcast_in_dim3A_352 {strides = array<i32>} : memref<16xf32, #tpu.memory_space<vmem>>, vector<16xf32>,
      %mul3A_355 = arith.constant 16 : i32
      %mul3A_356 = arith.muli %arg0, %mul3A_355 : i32
      "tpu.region"() ({
        %run_scoped3A = tpu.sem_alloc : memref<!tpu.dma_semaphore, #tpu.memory_space<semaphore_mem>>
        %dma_start3A_357 = tpu.memref_slice %arg37[%mul3A_356] : memref<32xf32, #tpu.memory_space<hbm>> -> memref<16xf32, #tpu.memory_space<hbm>>
        %dma_start3A_358 = tpu.memref_slice %arg37[%mul3A_356] : memref<32xf32, #tpu.memory_space<hbm>> -> memref<16xf32, #tpu.memory_space<hbm>>
        tpu.enqueue_dma source(%arg44 : memref<16xf32, #tpu.memory_space<vmem>>) target(%dma_start3A_358 : memref<16xf32, #tpu.memory_space<hbm>>) target_semaphore(%run_scoped3A : memref<!tpu.dma_semaphore, #tpu.memory_space<semaphore_mem>>)
        %dma_wait3A_359 = tpu.memref_slice %arg37[%mul3A_356] : memref<32xf32, #tpu.memory_space<hbm>> -> memref<16xf32, #tpu.memory_space<hbm>>
        %dma_wait3A_360 = tpu.memref_slice %arg37[%mul3A_356] : memref<32xf32, #tpu.memory_space<hbm>> -> memref<16xf32, #tpu.memory_space<hbm>>
        tpu.wait_dma2 semaphore(%run_scoped3A : memref<!tpu.dma_semaphore, #tpu.memory_space<semaphore_mem>>) src(%arg44 : memref<16xf32, #tpu.memory_space<vmem>>) dst(%dma_wait3A_360 : memref<16xf32, #tpu.memory_space<hbm>>)
        tpu.yield
      }) : () -> ()
    } else {
    }
    return
  }
}

#map = affine_map<(d0, d1) -> (0)>
module attributes {stable_mosaic.version = 14 : i64} {
  func.func @_affine_body(%arg0: i32, %arg1: i32, %arg2: memref<16384xi32, #tpu.memory_space<hbm>>, %arg3: memref<16384xi32, #tpu.memory_space<hbm>>, %arg4: memref<16384xf32, #tpu.memory_space<hbm>>, %arg5: memref<16384xf32, #tpu.memory_space<hbm>>, %arg6: memref<16xf32, #tpu.memory_space<hbm>>, %arg7: memref<1000000xf32, #tpu.memory_space<hbm>>, %arg8: memref<1000000xf32, #tpu.memory_space<hbm>>, %arg9: memref<1000000xf32, #tpu.memory_space<hbm>>, %arg10: memref<16384xf32, #tpu.memory_space<hbm>>, %arg11: memref<512xi32, #tpu.memory_space<vmem>>, %arg12: memref<512xi32, #tpu.memory_space<vmem>>, %arg13: memref<512xf32, #tpu.memory_space<vmem>>, %arg14: memref<512xf32, #tpu.memory_space<vmem>>, %arg15: memref<16xf32, #tpu.memory_space<vmem>>, %arg16: memref<512xf32, #tpu.memory_space<vmem>>, %arg17: memref<512xf32, #tpu.memory_space<vmem>>, %arg18: memref<512xf32, #tpu.memory_space<vmem>>, %arg19: memref<512xf32, #tpu.memory_space<vmem>>, %arg20: memref<!tpu.dma_semaphore, #tpu.memory_space<semaphore_mem>>) attributes {dimension_semantics = [#tpu.dimension_semantics<core_parallel>, #tpu.dimension_semantics<subcore_parallel>], iteration_bounds = array<i64: 2, 16>, scalar_prefetch = 0 : i64, scratch_operands = 10 : i64, tpu.core_type = #tpu.core_type<sc_vector_subcore>, window_params = [{transform_indices = #map}, {transform_indices = #map}, {transform_indices = #map}, {transform_indices = #map}, {transform_indices = #map}, {transform_indices = #map}, {transform_indices = #map}, {transform_indices = #map}, {transform_indices = #map}]} {
    %mul3A = arith.constant 2 : i32
    %mul3A_0 = arith.muli %arg1, %mul3A : i32
    %add3A = arith.addi %mul3A_0, %arg0 : i32
    %mul3A_1 = arith.constant 512 : i32
    %mul3A_2 = arith.muli %add3A, %mul3A_1 : i32
    "tpu.region"() ({
      %run_scoped3A = tpu.sem_alloc : memref<!tpu.dma_semaphore, #tpu.memory_space<semaphore_mem>>
      %dma_start3A_19 = tpu.memref_slice %arg2[%mul3A_2] : memref<16384xi32, #tpu.memory_space<hbm>> -> memref<512xi32, #tpu.memory_space<hbm>>
      %dma_start3A_20 = tpu.memref_slice %arg2[%mul3A_2] : memref<16384xi32, #tpu.memory_space<hbm>> -> memref<512xi32, #tpu.memory_space<hbm>>
      tpu.enqueue_dma source(%dma_start3A_20 : memref<512xi32, #tpu.memory_space<hbm>>) target(%arg11 : memref<512xi32, #tpu.memory_space<vmem>>) target_semaphore(%run_scoped3A : memref<!tpu.dma_semaphore, #tpu.memory_space<semaphore_mem>>)
      %dma_wait3A_21 = tpu.memref_slice %arg2[%mul3A_2] : memref<16384xi32, #tpu.memory_space<hbm>> -> memref<512xi32, #tpu.memory_space<hbm>>
      %dma_wait3A_22 = tpu.memref_slice %arg2[%mul3A_2] : memref<16384xi32, #tpu.memory_space<hbm>> -> memref<512xi32, #tpu.memory_space<hbm>>
      tpu.wait_dma2 semaphore(%run_scoped3A : memref<!tpu.dma_semaphore, #tpu.memory_space<semaphore_mem>>) src(%dma_wait3A_22 : memref<512xi32, #tpu.memory_space<hbm>>) dst(%arg11 : memref<512xi32, #tpu.memory_space<vmem>>)
      tpu.yield
    }) : () -> ()
    "tpu.region"() ({
      %run_scoped3A = tpu.sem_alloc : memref<!tpu.dma_semaphore, #tpu.memory_space<semaphore_mem>>
      %dma_start3A_19 = tpu.memref_slice %arg3[%mul3A_2] : memref<16384xi32, #tpu.memory_space<hbm>> -> memref<512xi32, #tpu.memory_space<hbm>>
      %dma_start3A_20 = tpu.memref_slice %arg3[%mul3A_2] : memref<16384xi32, #tpu.memory_space<hbm>> -> memref<512xi32, #tpu.memory_space<hbm>>
      tpu.enqueue_dma source(%dma_start3A_20 : memref<512xi32, #tpu.memory_space<hbm>>) target(%arg12 : memref<512xi32, #tpu.memory_space<vmem>>) target_semaphore(%run_scoped3A : memref<!tpu.dma_semaphore, #tpu.memory_space<semaphore_mem>>)
      %dma_wait3A_21 = tpu.memref_slice %arg3[%mul3A_2] : memref<16384xi32, #tpu.memory_space<hbm>> -> memref<512xi32, #tpu.memory_space<hbm>>
      %dma_wait3A_22 = tpu.memref_slice %arg3[%mul3A_2] : memref<16384xi32, #tpu.memory_space<hbm>> -> memref<512xi32, #tpu.memory_space<hbm>>
      tpu.wait_dma2 semaphore(%run_scoped3A : memref<!tpu.dma_semaphore, #tpu.memory_space<semaphore_mem>>) src(%dma_wait3A_22 : memref<512xi32, #tpu.memory_space<hbm>>) dst(%arg12 : memref<512xi32, #tpu.memory_space<vmem>>)
      tpu.yield
    }) : () -> ()
    "tpu.region"() ({
      %run_scoped3A = tpu.sem_alloc : memref<!tpu.dma_semaphore, #tpu.memory_space<semaphore_mem>>
      %dma_start3A_19 = tpu.memref_slice %arg4[%mul3A_2] : memref<16384xf32, #tpu.memory_space<hbm>> -> memref<512xf32, #tpu.memory_space<hbm>>
      %dma_start3A_20 = tpu.memref_slice %arg4[%mul3A_2] : memref<16384xf32, #tpu.memory_space<hbm>> -> memref<512xf32, #tpu.memory_space<hbm>>
      tpu.enqueue_dma source(%dma_start3A_20 : memref<512xf32, #tpu.memory_space<hbm>>) target(%arg13 : memref<512xf32, #tpu.memory_space<vmem>>) target_semaphore(%run_scoped3A : memref<!tpu.dma_semaphore, #tpu.memory_space<semaphore_mem>>)
      %dma_wait3A_21 = tpu.memref_slice %arg4[%mul3A_2] : memref<16384xf32, #tpu.memory_space<hbm>> -> memref<512xf32, #tpu.memory_space<hbm>>
      %dma_wait3A_22 = tpu.memref_slice %arg4[%mul3A_2] : memref<16384xf32, #tpu.memory_space<hbm>> -> memref<512xf32, #tpu.memory_space<hbm>>
      tpu.wait_dma2 semaphore(%run_scoped3A : memref<!tpu.dma_semaphore, #tpu.memory_space<semaphore_mem>>) src(%dma_wait3A_22 : memref<512xf32, #tpu.memory_space<hbm>>) dst(%arg13 : memref<512xf32, #tpu.memory_space<vmem>>)
      tpu.yield
    }) : () -> ()
    "tpu.region"() ({
      %run_scoped3A = tpu.sem_alloc : memref<!tpu.dma_semaphore, #tpu.memory_space<semaphore_mem>>
      %dma_start3A_19 = tpu.memref_slice %arg5[%mul3A_2] : memref<16384xf32, #tpu.memory_space<hbm>> -> memref<512xf32, #tpu.memory_space<hbm>>
      %dma_start3A_20 = tpu.memref_slice %arg5[%mul3A_2] : memref<16384xf32, #tpu.memory_space<hbm>> -> memref<512xf32, #tpu.memory_space<hbm>>
      tpu.enqueue_dma source(%dma_start3A_20 : memref<512xf32, #tpu.memory_space<hbm>>) target(%arg14 : memref<512xf32, #tpu.memory_space<vmem>>) target_semaphore(%run_scoped3A : memref<!tpu.dma_semaphore, #tpu.memory_space<semaphore_mem>>)
      %dma_wait3A_21 = tpu.memref_slice %arg5[%mul3A_2] : memref<16384xf32, #tpu.memory_space<hbm>> -> memref<512xf32, #tpu.memory_space<hbm>>
      %dma_wait3A_22 = tpu.memref_slice %arg5[%mul3A_2] : memref<16384xf32, #tpu.memory_space<hbm>> -> memref<512xf32, #tpu.memory_space<hbm>>
      tpu.wait_dma2 semaphore(%run_scoped3A : memref<!tpu.dma_semaphore, #tpu.memory_space<semaphore_mem>>) src(%dma_wait3A_22 : memref<512xf32, #tpu.memory_space<hbm>>) dst(%arg14 : memref<512xf32, #tpu.memory_space<vmem>>)
      tpu.yield
    }) : () -> ()
    "tpu.region"() ({
      %run_scoped3A = tpu.sem_alloc : memref<!tpu.dma_semaphore, #tpu.memory_space<semaphore_mem>>
      tpu.enqueue_dma source(%arg6 : memref<16xf32, #tpu.memory_space<hbm>>) target(%arg15 : memref<16xf32, #tpu.memory_space<vmem>>) target_semaphore(%run_scoped3A : memref<!tpu.dma_semaphore, #tpu.memory_space<semaphore_mem>>)
      tpu.wait_dma2 semaphore(%run_scoped3A : memref<!tpu.dma_semaphore, #tpu.memory_space<semaphore_mem>>) src(%arg6 : memref<16xf32, #tpu.memory_space<hbm>>) dst(%arg15 : memref<16xf32, #tpu.memory_space<vmem>>)
      tpu.yield
    }) : () -> ()
    %dma_start3A = arith.constant 0 : i32
    %dma_start3A_3 = tpu.memref_slice %arg7[%dma_start3A] : memref<1000000xf32, #tpu.memory_space<hbm>> -> memref<1000000xf32, #tpu.memory_space<hbm>>
    tpu.enqueue_indirect_dma source(%dma_start3A_3 : memref<1000000xf32, #tpu.memory_space<hbm>>) target(%arg16 : memref<512xf32, #tpu.memory_space<vmem>>) offsets(%arg11 : memref<512xi32, #tpu.memory_space<vmem>>) semaphore(%arg20 : memref<!tpu.dma_semaphore, #tpu.memory_space<semaphore_mem>>)
    %dma_start3A_4 = arith.constant 0 : i32
    %dma_start3A_5 = tpu.memref_slice %arg8[%dma_start3A_4] : memref<1000000xf32, #tpu.memory_space<hbm>> -> memref<1000000xf32, #tpu.memory_space<hbm>>
    tpu.enqueue_indirect_dma source(%dma_start3A_5 : memref<1000000xf32, #tpu.memory_space<hbm>>) target(%arg17 : memref<512xf32, #tpu.memory_space<vmem>>) offsets(%arg12 : memref<512xi32, #tpu.memory_space<vmem>>) semaphore(%arg20 : memref<!tpu.dma_semaphore, #tpu.memory_space<semaphore_mem>>)
    %dma_start3A_6 = arith.constant 0 : i32
    %dma_start3A_7 = tpu.memref_slice %arg9[%dma_start3A_6] : memref<1000000xf32, #tpu.memory_space<hbm>> -> memref<1000000xf32, #tpu.memory_space<hbm>>
    tpu.enqueue_indirect_dma source(%dma_start3A_7 : memref<1000000xf32, #tpu.memory_space<hbm>>) target(%arg18 : memref<512xf32, #tpu.memory_space<vmem>>) offsets(%arg11 : memref<512xi32, #tpu.memory_space<vmem>>) semaphore(%arg20 : memref<!tpu.dma_semaphore, #tpu.memory_space<semaphore_mem>>)
    %dma_wait3A = arith.constant 0 : i32
    %dma_wait3A_8 = tpu.memref_slice %arg7[%dma_wait3A] : memref<1000000xf32, #tpu.memory_space<hbm>> -> memref<1000000xf32, #tpu.memory_space<hbm>>
    tpu.wait_indirect_dma semaphore(%arg20 : memref<!tpu.dma_semaphore, #tpu.memory_space<semaphore_mem>>) src(%dma_wait3A_8 : memref<1000000xf32, #tpu.memory_space<hbm>>) dst(%arg16 : memref<512xf32, #tpu.memory_space<vmem>>)
    %dma_wait3A_9 = arith.constant 0 : i32
    %dma_wait3A_10 = tpu.memref_slice %arg8[%dma_wait3A_9] : memref<1000000xf32, #tpu.memory_space<hbm>> -> memref<1000000xf32, #tpu.memory_space<hbm>>
    tpu.wait_indirect_dma semaphore(%arg20 : memref<!tpu.dma_semaphore, #tpu.memory_space<semaphore_mem>>) src(%dma_wait3A_10 : memref<1000000xf32, #tpu.memory_space<hbm>>) dst(%arg17 : memref<512xf32, #tpu.memory_space<vmem>>)
    %dma_wait3A_11 = arith.constant 0 : i32
    %dma_wait3A_12 = tpu.memref_slice %arg9[%dma_wait3A_11] : memref<1000000xf32, #tpu.memory_space<hbm>> -> memref<1000000xf32, #tpu.memory_space<hbm>>
    tpu.wait_indirect_dma semaphore(%arg20 : memref<!tpu.dma_semaphore, #tpu.memory_space<semaphore_mem>>) src(%dma_wait3A_12 : memref<1000000xf32, #tpu.memory_space<hbm>>) dst(%arg18 : memref<512xf32, #tpu.memory_space<vmem>>)
    %get3A = arith.constant 0 : index
    %get3A_13 = tpu.vector_load %arg15[%get3A] {strides = array<i32>} : memref<16xf32, #tpu.memory_space<vmem>>, vector<16xf32>,
    %scan3A = arith.constant 0 : i32
    %scan3A_14 = arith.constant 0 : i32
    %scan3A_15 = arith.constant 32 : i32
    %scan3A_16 = arith.addi %scan3A_14, %scan3A_15 : i32
    %scan3A_17 = arith.constant 1 : i32
    scf.for %scan3A_19 = %scan3A_14 to %scan3A_16 step %scan3A_17  : i32 {
      %mul3A_20 = arith.constant 16 : i32
      %mul3A_21 = arith.muli %scan3A_19, %mul3A_20 : i32
      %get3A_22 = arith.index_cast %mul3A_21 : i32 to index
      %get3A_23 = tpu.vector_load %arg16[%get3A_22] {strides = array<i32>} : memref<512xf32, #tpu.memory_space<vmem>>, vector<16xf32>,
      %add3A_24 = arith.addf %get3A_13, %get3A_23 : vector<16xf32>
      %get3A_25 = arith.index_cast %mul3A_21 : i32 to index
      %get3A_26 = tpu.vector_load %arg17[%get3A_25] {strides = array<i32>} : memref<512xf32, #tpu.memory_space<vmem>>, vector<16xf32>,
      %add3A_27 = arith.addf %add3A_24, %get3A_26 : vector<16xf32>
      %get3A_28 = arith.index_cast %mul3A_21 : i32 to index
      %get3A_29 = tpu.vector_load %arg18[%get3A_28] {strides = array<i32>} : memref<512xf32, #tpu.memory_space<vmem>>, vector<16xf32>,
      %get3A_30 = arith.index_cast %mul3A_21 : i32 to index
      %get3A_31 = tpu.vector_load %arg13[%get3A_30] {strides = array<i32>} : memref<512xf32, #tpu.memory_space<vmem>>, vector<16xf32>,
      %mul3A_32 = arith.mulf %get3A_29, %get3A_31 : vector<16xf32>
      %add3A_33 = arith.addf %add3A_27, %mul3A_32 : vector<16xf32>
      %get3A_34 = arith.index_cast %mul3A_21 : i32 to index
      %get3A_35 = tpu.vector_load %arg14[%get3A_34] {strides = array<i32>} : memref<512xf32, #tpu.memory_space<vmem>>, vector<16xf32>,
      %sub3A = arith.subf %add3A_33, %get3A_35 : vector<16xf32>
      %swap3A = arith.index_cast %mul3A_21 : i32 to index
      %swap3A_36 = tpu.vector_load %arg19[%swap3A] {strides = array<i32>} : memref<512xf32, #tpu.memory_space<vmem>>, vector<16xf32>,
      tpu.vector_store %arg19[%swap3A], %sub3A {strides = array<i32>} : memref<512xf32, #tpu.memory_space<vmem>>, vector<16xf32>,
    }
    %scan3A_18 = arith.constant 32 : i32
    "tpu.region"() ({
      %run_scoped3A = tpu.sem_alloc : memref<!tpu.dma_semaphore, #tpu.memory_space<semaphore_mem>>
      %dma_start3A_19 = tpu.memref_slice %arg10[%mul3A_2] : memref<16384xf32, #tpu.memory_space<hbm>> -> memref<512xf32, #tpu.memory_space<hbm>>
      %dma_start3A_20 = tpu.memref_slice %arg10[%mul3A_2] : memref<16384xf32, #tpu.memory_space<hbm>> -> memref<512xf32, #tpu.memory_space<hbm>>
      tpu.enqueue_dma source(%arg19 : memref<512xf32, #tpu.memory_space<vmem>>) target(%dma_start3A_20 : memref<512xf32, #tpu.memory_space<hbm>>) target_semaphore(%run_scoped3A : memref<!tpu.dma_semaphore, #tpu.memory_space<semaphore_mem>>)
      %dma_wait3A_21 = tpu.memref_slice %arg10[%mul3A_2] : memref<16384xf32, #tpu.memory_space<hbm>> -> memref<512xf32, #tpu.memory_space<hbm>>
      %dma_wait3A_22 = tpu.memref_slice %arg10[%mul3A_2] : memref<16384xf32, #tpu.memory_space<hbm>> -> memref<512xf32, #tpu.memory_space<hbm>>
      tpu.wait_dma2 semaphore(%run_scoped3A : memref<!tpu.dma_semaphore, #tpu.memory_space<semaphore_mem>>) src(%arg19 : memref<512xf32, #tpu.memory_space<vmem>>) dst(%dma_wait3A_22 : memref<512xf32, #tpu.memory_space<hbm>>)
      tpu.yield
    }) : () -> ()
    return
  }
}

module attributes {stable_mosaic.version = 14 : i64} {
  func.func @_detile_body(%arg0: i32, %arg1: memref<16x65536xf32, #tpu.memory_space<vmem>>, %arg2: memref<16x65536xf32, #tpu.memory_space<vmem>>, %arg3: memref<65536xf32, #tpu.memory_space<vmem>>, %arg4: memref<65536xf32, #tpu.memory_space<vmem>>, %arg5: memref<65536xf32, #tpu.memory_space<vmem>>, %arg6: memref<65536xf32, #tpu.memory_space<vmem>>, %arg7: memref<65536xf32, #tpu.memory_space<vmem>>, %arg8: memref<65536xf32, #tpu.memory_space<vmem>>, %arg9: memref<65536xf32, #tpu.memory_space<vmem>>, %arg10: memref<65536xf32, #tpu.memory_space<vmem>>, %arg11: memref<65536xf32, #tpu.memory_space<vmem>>, %arg12: memref<65536xf32, #tpu.memory_space<vmem>>, %arg13: memref<65536xf32, #tpu.memory_space<vmem>>, %arg14: memref<65536xf32, #tpu.memory_space<vmem>>, %arg15: memref<65536xf32, #tpu.memory_space<vmem>>, %arg16: memref<65536xf32, #tpu.memory_space<vmem>>, %arg17: memref<65536xf32, #tpu.memory_space<vmem>>, %arg18: memref<65536xf32, #tpu.memory_space<vmem>>, %arg19: memref<65536xf32, #tpu.memory_space<vmem>>, %arg20: memref<65536xf32, #tpu.memory_space<vmem>>, %arg21: memref<65536xf32, #tpu.memory_space<vmem>>, %arg22: memref<65536xf32, #tpu.memory_space<vmem>>, %arg23: memref<65536xf32, #tpu.memory_space<vmem>>, %arg24: memref<65536xf32, #tpu.memory_space<vmem>>, %arg25: memref<65536xf32, #tpu.memory_space<vmem>>, %arg26: memref<65536xf32, #tpu.memory_space<vmem>>, %arg27: memref<65536xf32, #tpu.memory_space<vmem>>, %arg28: memref<65536xf32, #tpu.memory_space<vmem>>, %arg29: memref<65536xf32, #tpu.memory_space<vmem>>, %arg30: memref<65536xf32, #tpu.memory_space<vmem>>, %arg31: memref<65536xf32, #tpu.memory_space<vmem>>, %arg32: memref<65536xf32, #tpu.memory_space<vmem>>, %arg33: memref<65536xf32, #tpu.memory_space<vmem>>, %arg34: memref<65536xf32, #tpu.memory_space<vmem>>) attributes {dimension_semantics = [#tpu.dimension_semantics<arbitrary>], iteration_bounds = array<i64: 16>, scalar_prefetch = 0 : i64, scratch_operands = 0 : i64, tpu.core_type = #tpu.core_type<tc>, window_params = [{transform_indices = @transform_0, window_bounds = array<i64: 16, 65536>}, {transform_indices = @transform_1, window_bounds = array<i64: 16, 65536>}, {transform_indices = @transform_2, window_bounds = array<i64: 65536>}, {transform_indices = @transform_3, window_bounds = array<i64: 65536>}, {transform_indices = @transform_4, window_bounds = array<i64: 65536>}, {transform_indices = @transform_5, window_bounds = array<i64: 65536>}, {transform_indices = @transform_6, window_bounds = array<i64: 65536>}, {transform_indices = @transform_7, window_bounds = array<i64: 65536>}, {transform_indices = @transform_8, window_bounds = array<i64: 65536>}, {transform_indices = @transform_9, window_bounds = array<i64: 65536>}, {transform_indices = @transform_10, window_bounds = array<i64: 65536>}, {transform_indices = @transform_11, window_bounds = array<i64: 65536>}, {transform_indices = @transform_12, window_bounds = array<i64: 65536>}, {transform_indices = @transform_13, window_bounds = array<i64: 65536>}, {transform_indices = @transform_14, window_bounds = array<i64: 65536>}, {transform_indices = @transform_15, window_bounds = array<i64: 65536>}, {transform_indices = @transform_16, window_bounds = array<i64: 65536>}, {transform_indices = @transform_17, window_bounds = array<i64: 65536>}, {transform_indices = @transform_18, window_bounds = array<i64: 65536>}, {transform_indices = @transform_19, window_bounds = array<i64: 65536>}, {transform_indices = @transform_20, window_bounds = array<i64: 65536>}, {transform_indices = @transform_21, window_bounds = array<i64: 65536>}, {transform_indices = @transform_22, window_bounds = array<i64: 65536>}, {transform_indices = @transform_23, window_bounds = array<i64: 65536>}, {transform_indices = @transform_24, window_bounds = array<i64: 65536>}, {transform_indices = @transform_25, window_bounds = array<i64: 65536>}, {transform_indices = @transform_26, window_bounds = array<i64: 65536>}, {transform_indices = @transform_27, window_bounds = array<i64: 65536>}, {transform_indices = @transform_28, window_bounds = array<i64: 65536>}, {transform_indices = @transform_29, window_bounds = array<i64: 65536>}, {transform_indices = @transform_30, window_bounds = array<i64: 65536>}, {transform_indices = @transform_31, window_bounds = array<i64: 65536>}, {transform_indices = @transform_32, window_bounds = array<i64: 65536>}, {transform_indices = @transform_33, window_bounds = array<i64: 65536>}]} {
    %get3A = arith.constant 0 : index
    %get3A_0 = arith.constant 0 : index
    %get3A_1 = vector.load %arg1[%get3A, %get3A_0] : memref<16x65536xf32, #tpu.memory_space<vmem>>, vector<1x65536xf32>
    %get3A_2 = vector.shape_cast %get3A_1 : vector<1x65536xf32> to vector<65536xf32>
    %swap3A = arith.constant 0 : index
    %swap3A_3 = vector.load %arg3[%swap3A] : memref<65536xf32, #tpu.memory_space<vmem>>, vector<65536xf32>
    tpu.vector_store %arg3[%swap3A], %get3A_2 {strides = array<i32>} : memref<65536xf32, #tpu.memory_space<vmem>>, vector<65536xf32>,
    %get3A_4 = arith.constant 0 : index
    %get3A_5 = arith.constant 0 : index
    %get3A_6 = vector.load %arg2[%get3A_4, %get3A_5] : memref<16x65536xf32, #tpu.memory_space<vmem>>, vector<1x65536xf32>
    %get3A_7 = vector.shape_cast %get3A_6 : vector<1x65536xf32> to vector<65536xf32>
    %swap3A_8 = arith.constant 0 : index
    %swap3A_9 = vector.load %arg19[%swap3A_8] : memref<65536xf32, #tpu.memory_space<vmem>>, vector<65536xf32>
    tpu.vector_store %arg19[%swap3A_8], %get3A_7 {strides = array<i32>} : memref<65536xf32, #tpu.memory_space<vmem>>, vector<65536xf32>,
    %get3A_10 = arith.constant 1 : index
    %get3A_11 = arith.constant 0 : index
    %get3A_12 = vector.load %arg1[%get3A_10, %get3A_11] : memref<16x65536xf32, #tpu.memory_space<vmem>>, vector<1x65536xf32>
    %get3A_13 = vector.shape_cast %get3A_12 : vector<1x65536xf32> to vector<65536xf32>
    %swap3A_14 = arith.constant 0 : index
    %swap3A_15 = vector.load %arg4[%swap3A_14] : memref<65536xf32, #tpu.memory_space<vmem>>, vector<65536xf32>
    tpu.vector_store %arg4[%swap3A_14], %get3A_13 {strides = array<i32>} : memref<65536xf32, #tpu.memory_space<vmem>>, vector<65536xf32>,
    %get3A_16 = arith.constant 1 : index
    %get3A_17 = arith.constant 0 : index
    %get3A_18 = vector.load %arg2[%get3A_16, %get3A_17] : memref<16x65536xf32, #tpu.memory_space<vmem>>, vector<1x65536xf32>
    %get3A_19 = vector.shape_cast %get3A_18 : vector<1x65536xf32> to vector<65536xf32>
    %swap3A_20 = arith.constant 0 : index
    %swap3A_21 = vector.load %arg20[%swap3A_20] : memref<65536xf32, #tpu.memory_space<vmem>>, vector<65536xf32>
    tpu.vector_store %arg20[%swap3A_20], %get3A_19 {strides = array<i32>} : memref<65536xf32, #tpu.memory_space<vmem>>, vector<65536xf32>,
    %get3A_22 = arith.constant 2 : index
    %get3A_23 = arith.constant 0 : index
    %get3A_24 = vector.load %arg1[%get3A_22, %get3A_23] : memref<16x65536xf32, #tpu.memory_space<vmem>>, vector<1x65536xf32>
    %get3A_25 = vector.shape_cast %get3A_24 : vector<1x65536xf32> to vector<65536xf32>
    %swap3A_26 = arith.constant 0 : index
    %swap3A_27 = vector.load %arg5[%swap3A_26] : memref<65536xf32, #tpu.memory_space<vmem>>, vector<65536xf32>
    tpu.vector_store %arg5[%swap3A_26], %get3A_25 {strides = array<i32>} : memref<65536xf32, #tpu.memory_space<vmem>>, vector<65536xf32>,
    %get3A_28 = arith.constant 2 : index
    %get3A_29 = arith.constant 0 : index
    %get3A_30 = vector.load %arg2[%get3A_28, %get3A_29] : memref<16x65536xf32, #tpu.memory_space<vmem>>, vector<1x65536xf32>
    %get3A_31 = vector.shape_cast %get3A_30 : vector<1x65536xf32> to vector<65536xf32>
    %swap3A_32 = arith.constant 0 : index
    %swap3A_33 = vector.load %arg21[%swap3A_32] : memref<65536xf32, #tpu.memory_space<vmem>>, vector<65536xf32>
    tpu.vector_store %arg21[%swap3A_32], %get3A_31 {strides = array<i32>} : memref<65536xf32, #tpu.memory_space<vmem>>, vector<65536xf32>,
    %get3A_34 = arith.constant 3 : index
    %get3A_35 = arith.constant 0 : index
    %get3A_36 = vector.load %arg1[%get3A_34, %get3A_35] : memref<16x65536xf32, #tpu.memory_space<vmem>>, vector<1x65536xf32>
    %get3A_37 = vector.shape_cast %get3A_36 : vector<1x65536xf32> to vector<65536xf32>
    %swap3A_38 = arith.constant 0 : index
    %swap3A_39 = vector.load %arg6[%swap3A_38] : memref<65536xf32, #tpu.memory_space<vmem>>, vector<65536xf32>
    tpu.vector_store %arg6[%swap3A_38], %get3A_37 {strides = array<i32>} : memref<65536xf32, #tpu.memory_space<vmem>>, vector<65536xf32>,
    %get3A_40 = arith.constant 3 : index
    %get3A_41 = arith.constant 0 : index
    %get3A_42 = vector.load %arg2[%get3A_40, %get3A_41] : memref<16x65536xf32, #tpu.memory_space<vmem>>, vector<1x65536xf32>
    %get3A_43 = vector.shape_cast %get3A_42 : vector<1x65536xf32> to vector<65536xf32>
    %swap3A_44 = arith.constant 0 : index
    %swap3A_45 = vector.load %arg22[%swap3A_44] : memref<65536xf32, #tpu.memory_space<vmem>>, vector<65536xf32>
    tpu.vector_store %arg22[%swap3A_44], %get3A_43 {strides = array<i32>} : memref<65536xf32, #tpu.memory_space<vmem>>, vector<65536xf32>,
    %get3A_46 = arith.constant 4 : index
    %get3A_47 = arith.constant 0 : index
    %get3A_48 = vector.load %arg1[%get3A_46, %get3A_47] : memref<16x65536xf32, #tpu.memory_space<vmem>>, vector<1x65536xf32>
    %get3A_49 = vector.shape_cast %get3A_48 : vector<1x65536xf32> to vector<65536xf32>
    %swap3A_50 = arith.constant 0 : index
    %swap3A_51 = vector.load %arg7[%swap3A_50] : memref<65536xf32, #tpu.memory_space<vmem>>, vector<65536xf32>
    tpu.vector_store %arg7[%swap3A_50], %get3A_49 {strides = array<i32>} : memref<65536xf32, #tpu.memory_space<vmem>>, vector<65536xf32>,
    %get3A_52 = arith.constant 4 : index
    %get3A_53 = arith.constant 0 : index
    %get3A_54 = vector.load %arg2[%get3A_52, %get3A_53] : memref<16x65536xf32, #tpu.memory_space<vmem>>, vector<1x65536xf32>
    %get3A_55 = vector.shape_cast %get3A_54 : vector<1x65536xf32> to vector<65536xf32>
    %swap3A_56 = arith.constant 0 : index
    %swap3A_57 = vector.load %arg23[%swap3A_56] : memref<65536xf32, #tpu.memory_space<vmem>>, vector<65536xf32>
    tpu.vector_store %arg23[%swap3A_56], %get3A_55 {strides = array<i32>} : memref<65536xf32, #tpu.memory_space<vmem>>, vector<65536xf32>,
    %get3A_58 = arith.constant 5 : index
    %get3A_59 = arith.constant 0 : index
    %get3A_60 = vector.load %arg1[%get3A_58, %get3A_59] : memref<16x65536xf32, #tpu.memory_space<vmem>>, vector<1x65536xf32>
    %get3A_61 = vector.shape_cast %get3A_60 : vector<1x65536xf32> to vector<65536xf32>
    %swap3A_62 = arith.constant 0 : index
    %swap3A_63 = vector.load %arg8[%swap3A_62] : memref<65536xf32, #tpu.memory_space<vmem>>, vector<65536xf32>
    tpu.vector_store %arg8[%swap3A_62], %get3A_61 {strides = array<i32>} : memref<65536xf32, #tpu.memory_space<vmem>>, vector<65536xf32>,
    %get3A_64 = arith.constant 5 : index
    %get3A_65 = arith.constant 0 : index
    %get3A_66 = vector.load %arg2[%get3A_64, %get3A_65] : memref<16x65536xf32, #tpu.memory_space<vmem>>, vector<1x65536xf32>
    %get3A_67 = vector.shape_cast %get3A_66 : vector<1x65536xf32> to vector<65536xf32>
    %swap3A_68 = arith.constant 0 : index
    %swap3A_69 = vector.load %arg24[%swap3A_68] : memref<65536xf32, #tpu.memory_space<vmem>>, vector<65536xf32>
    tpu.vector_store %arg24[%swap3A_68], %get3A_67 {strides = array<i32>} : memref<65536xf32, #tpu.memory_space<vmem>>, vector<65536xf32>,
    %get3A_70 = arith.constant 6 : index
    %get3A_71 = arith.constant 0 : index
    %get3A_72 = vector.load %arg1[%get3A_70, %get3A_71] : memref<16x65536xf32, #tpu.memory_space<vmem>>, vector<1x65536xf32>
    %get3A_73 = vector.shape_cast %get3A_72 : vector<1x65536xf32> to vector<65536xf32>
    %swap3A_74 = arith.constant 0 : index
    %swap3A_75 = vector.load %arg9[%swap3A_74] : memref<65536xf32, #tpu.memory_space<vmem>>, vector<65536xf32>
    tpu.vector_store %arg9[%swap3A_74], %get3A_73 {strides = array<i32>} : memref<65536xf32, #tpu.memory_space<vmem>>, vector<65536xf32>,
    %get3A_76 = arith.constant 6 : index
    %get3A_77 = arith.constant 0 : index
    %get3A_78 = vector.load %arg2[%get3A_76, %get3A_77] : memref<16x65536xf32, #tpu.memory_space<vmem>>, vector<1x65536xf32>
    %get3A_79 = vector.shape_cast %get3A_78 : vector<1x65536xf32> to vector<65536xf32>
    %swap3A_80 = arith.constant 0 : index
    %swap3A_81 = vector.load %arg25[%swap3A_80] : memref<65536xf32, #tpu.memory_space<vmem>>, vector<65536xf32>
    tpu.vector_store %arg25[%swap3A_80], %get3A_79 {strides = array<i32>} : memref<65536xf32, #tpu.memory_space<vmem>>, vector<65536xf32>,
    %get3A_82 = arith.constant 7 : index
    %get3A_83 = arith.constant 0 : index
    %get3A_84 = vector.load %arg1[%get3A_82, %get3A_83] : memref<16x65536xf32, #tpu.memory_space<vmem>>, vector<1x65536xf32>
    %get3A_85 = vector.shape_cast %get3A_84 : vector<1x65536xf32> to vector<65536xf32>
    %swap3A_86 = arith.constant 0 : index
    %swap3A_87 = vector.load %arg10[%swap3A_86] : memref<65536xf32, #tpu.memory_space<vmem>>, vector<65536xf32>
    tpu.vector_store %arg10[%swap3A_86], %get3A_85 {strides = array<i32>} : memref<65536xf32, #tpu.memory_space<vmem>>, vector<65536xf32>,
    %get3A_88 = arith.constant 7 : index
    %get3A_89 = arith.constant 0 : index
    %get3A_90 = vector.load %arg2[%get3A_88, %get3A_89] : memref<16x65536xf32, #tpu.memory_space<vmem>>, vector<1x65536xf32>
    %get3A_91 = vector.shape_cast %get3A_90 : vector<1x65536xf32> to vector<65536xf32>
    %swap3A_92 = arith.constant 0 : index
    %swap3A_93 = vector.load %arg26[%swap3A_92] : memref<65536xf32, #tpu.memory_space<vmem>>, vector<65536xf32>
    tpu.vector_store %arg26[%swap3A_92], %get3A_91 {strides = array<i32>} : memref<65536xf32, #tpu.memory_space<vmem>>, vector<65536xf32>,
    %get3A_94 = arith.constant 8 : index
    %get3A_95 = arith.constant 0 : index
    %get3A_96 = vector.load %arg1[%get3A_94, %get3A_95] : memref<16x65536xf32, #tpu.memory_space<vmem>>, vector<1x65536xf32>
    %get3A_97 = vector.shape_cast %get3A_96 : vector<1x65536xf32> to vector<65536xf32>
    %swap3A_98 = arith.constant 0 : index
    %swap3A_99 = vector.load %arg11[%swap3A_98] : memref<65536xf32, #tpu.memory_space<vmem>>, vector<65536xf32>
    tpu.vector_store %arg11[%swap3A_98], %get3A_97 {strides = array<i32>} : memref<65536xf32, #tpu.memory_space<vmem>>, vector<65536xf32>,
    %get3A_100 = arith.constant 8 : index
    %get3A_101 = arith.constant 0 : index
    %get3A_102 = vector.load %arg2[%get3A_100, %get3A_101] : memref<16x65536xf32, #tpu.memory_space<vmem>>, vector<1x65536xf32>
    %get3A_103 = vector.shape_cast %get3A_102 : vector<1x65536xf32> to vector<65536xf32>
    %swap3A_104 = arith.constant 0 : index
    %swap3A_105 = vector.load %arg27[%swap3A_104] : memref<65536xf32, #tpu.memory_space<vmem>>, vector<65536xf32>
    tpu.vector_store %arg27[%swap3A_104], %get3A_103 {strides = array<i32>} : memref<65536xf32, #tpu.memory_space<vmem>>, vector<65536xf32>,
    %get3A_106 = arith.constant 9 : index
    %get3A_107 = arith.constant 0 : index
    %get3A_108 = vector.load %arg1[%get3A_106, %get3A_107] : memref<16x65536xf32, #tpu.memory_space<vmem>>, vector<1x65536xf32>
    %get3A_109 = vector.shape_cast %get3A_108 : vector<1x65536xf32> to vector<65536xf32>
    %swap3A_110 = arith.constant 0 : index
    %swap3A_111 = vector.load %arg12[%swap3A_110] : memref<65536xf32, #tpu.memory_space<vmem>>, vector<65536xf32>
    tpu.vector_store %arg12[%swap3A_110], %get3A_109 {strides = array<i32>} : memref<65536xf32, #tpu.memory_space<vmem>>, vector<65536xf32>,
    %get3A_112 = arith.constant 9 : index
    %get3A_113 = arith.constant 0 : index
    %get3A_114 = vector.load %arg2[%get3A_112, %get3A_113] : memref<16x65536xf32, #tpu.memory_space<vmem>>, vector<1x65536xf32>
    %get3A_115 = vector.shape_cast %get3A_114 : vector<1x65536xf32> to vector<65536xf32>
    %swap3A_116 = arith.constant 0 : index
    %swap3A_117 = vector.load %arg28[%swap3A_116] : memref<65536xf32, #tpu.memory_space<vmem>>, vector<65536xf32>
    tpu.vector_store %arg28[%swap3A_116], %get3A_115 {strides = array<i32>} : memref<65536xf32, #tpu.memory_space<vmem>>, vector<65536xf32>,
    %get3A_118 = arith.constant 10 : index
    %get3A_119 = arith.constant 0 : index
    %get3A_120 = vector.load %arg1[%get3A_118, %get3A_119] : memref<16x65536xf32, #tpu.memory_space<vmem>>, vector<1x65536xf32>
    %get3A_121 = vector.shape_cast %get3A_120 : vector<1x65536xf32> to vector<65536xf32>
    %swap3A_122 = arith.constant 0 : index
    %swap3A_123 = vector.load %arg13[%swap3A_122] : memref<65536xf32, #tpu.memory_space<vmem>>, vector<65536xf32>
    tpu.vector_store %arg13[%swap3A_122], %get3A_121 {strides = array<i32>} : memref<65536xf32, #tpu.memory_space<vmem>>, vector<65536xf32>,
    %get3A_124 = arith.constant 10 : index
    %get3A_125 = arith.constant 0 : index
    %get3A_126 = vector.load %arg2[%get3A_124, %get3A_125] : memref<16x65536xf32, #tpu.memory_space<vmem>>, vector<1x65536xf32>
    %get3A_127 = vector.shape_cast %get3A_126 : vector<1x65536xf32> to vector<65536xf32>
    %swap3A_128 = arith.constant 0 : index
    %swap3A_129 = vector.load %arg29[%swap3A_128] : memref<65536xf32, #tpu.memory_space<vmem>>, vector<65536xf32>
    tpu.vector_store %arg29[%swap3A_128], %get3A_127 {strides = array<i32>} : memref<65536xf32, #tpu.memory_space<vmem>>, vector<65536xf32>,
    %get3A_130 = arith.constant 11 : index
    %get3A_131 = arith.constant 0 : index
    %get3A_132 = vector.load %arg1[%get3A_130, %get3A_131] : memref<16x65536xf32, #tpu.memory_space<vmem>>, vector<1x65536xf32>
    %get3A_133 = vector.shape_cast %get3A_132 : vector<1x65536xf32> to vector<65536xf32>
    %swap3A_134 = arith.constant 0 : index
    %swap3A_135 = vector.load %arg14[%swap3A_134] : memref<65536xf32, #tpu.memory_space<vmem>>, vector<65536xf32>
    tpu.vector_store %arg14[%swap3A_134], %get3A_133 {strides = array<i32>} : memref<65536xf32, #tpu.memory_space<vmem>>, vector<65536xf32>,
    %get3A_136 = arith.constant 11 : index
    %get3A_137 = arith.constant 0 : index
    %get3A_138 = vector.load %arg2[%get3A_136, %get3A_137] : memref<16x65536xf32, #tpu.memory_space<vmem>>, vector<1x65536xf32>
    %get3A_139 = vector.shape_cast %get3A_138 : vector<1x65536xf32> to vector<65536xf32>
    %swap3A_140 = arith.constant 0 : index
    %swap3A_141 = vector.load %arg30[%swap3A_140] : memref<65536xf32, #tpu.memory_space<vmem>>, vector<65536xf32>
    tpu.vector_store %arg30[%swap3A_140], %get3A_139 {strides = array<i32>} : memref<65536xf32, #tpu.memory_space<vmem>>, vector<65536xf32>,
    %get3A_142 = arith.constant 12 : index
    %get3A_143 = arith.constant 0 : index
    %get3A_144 = vector.load %arg1[%get3A_142, %get3A_143] : memref<16x65536xf32, #tpu.memory_space<vmem>>, vector<1x65536xf32>
    %get3A_145 = vector.shape_cast %get3A_144 : vector<1x65536xf32> to vector<65536xf32>
    %swap3A_146 = arith.constant 0 : index
    %swap3A_147 = vector.load %arg15[%swap3A_146] : memref<65536xf32, #tpu.memory_space<vmem>>, vector<65536xf32>
    tpu.vector_store %arg15[%swap3A_146], %get3A_145 {strides = array<i32>} : memref<65536xf32, #tpu.memory_space<vmem>>, vector<65536xf32>,
    %get3A_148 = arith.constant 12 : index
    %get3A_149 = arith.constant 0 : index
    %get3A_150 = vector.load %arg2[%get3A_148, %get3A_149] : memref<16x65536xf32, #tpu.memory_space<vmem>>, vector<1x65536xf32>
    %get3A_151 = vector.shape_cast %get3A_150 : vector<1x65536xf32> to vector<65536xf32>
    %swap3A_152 = arith.constant 0 : index
    %swap3A_153 = vector.load %arg31[%swap3A_152] : memref<65536xf32, #tpu.memory_space<vmem>>, vector<65536xf32>
    tpu.vector_store %arg31[%swap3A_152], %get3A_151 {strides = array<i32>} : memref<65536xf32, #tpu.memory_space<vmem>>, vector<65536xf32>,
    %get3A_154 = arith.constant 13 : index
    %get3A_155 = arith.constant 0 : index
    %get3A_156 = vector.load %arg1[%get3A_154, %get3A_155] : memref<16x65536xf32, #tpu.memory_space<vmem>>, vector<1x65536xf32>
    %get3A_157 = vector.shape_cast %get3A_156 : vector<1x65536xf32> to vector<65536xf32>
    %swap3A_158 = arith.constant 0 : index
    %swap3A_159 = vector.load %arg16[%swap3A_158] : memref<65536xf32, #tpu.memory_space<vmem>>, vector<65536xf32>
    tpu.vector_store %arg16[%swap3A_158], %get3A_157 {strides = array<i32>} : memref<65536xf32, #tpu.memory_space<vmem>>, vector<65536xf32>,
    %get3A_160 = arith.constant 13 : index
    %get3A_161 = arith.constant 0 : index
    %get3A_162 = vector.load %arg2[%get3A_160, %get3A_161] : memref<16x65536xf32, #tpu.memory_space<vmem>>, vector<1x65536xf32>
    %get3A_163 = vector.shape_cast %get3A_162 : vector<1x65536xf32> to vector<65536xf32>
    %swap3A_164 = arith.constant 0 : index
    %swap3A_165 = vector.load %arg32[%swap3A_164] : memref<65536xf32, #tpu.memory_space<vmem>>, vector<65536xf32>
    tpu.vector_store %arg32[%swap3A_164], %get3A_163 {strides = array<i32>} : memref<65536xf32, #tpu.memory_space<vmem>>, vector<65536xf32>,
    %get3A_166 = arith.constant 14 : index
    %get3A_167 = arith.constant 0 : index
    %get3A_168 = vector.load %arg1[%get3A_166, %get3A_167] : memref<16x65536xf32, #tpu.memory_space<vmem>>, vector<1x65536xf32>
    %get3A_169 = vector.shape_cast %get3A_168 : vector<1x65536xf32> to vector<65536xf32>
    %swap3A_170 = arith.constant 0 : index
    %swap3A_171 = vector.load %arg17[%swap3A_170] : memref<65536xf32, #tpu.memory_space<vmem>>, vector<65536xf32>
    tpu.vector_store %arg17[%swap3A_170], %get3A_169 {strides = array<i32>} : memref<65536xf32, #tpu.memory_space<vmem>>, vector<65536xf32>,
    %get3A_172 = arith.constant 14 : index
    %get3A_173 = arith.constant 0 : index
    %get3A_174 = vector.load %arg2[%get3A_172, %get3A_173] : memref<16x65536xf32, #tpu.memory_space<vmem>>, vector<1x65536xf32>
    %get3A_175 = vector.shape_cast %get3A_174 : vector<1x65536xf32> to vector<65536xf32>
    %swap3A_176 = arith.constant 0 : index
    %swap3A_177 = vector.load %arg33[%swap3A_176] : memref<65536xf32, #tpu.memory_space<vmem>>, vector<65536xf32>
    tpu.vector_store %arg33[%swap3A_176], %get3A_175 {strides = array<i32>} : memref<65536xf32, #tpu.memory_space<vmem>>, vector<65536xf32>,
    %get3A_178 = arith.constant 15 : index
    %get3A_179 = arith.constant 0 : index
    %get3A_180 = vector.load %arg1[%get3A_178, %get3A_179] : memref<16x65536xf32, #tpu.memory_space<vmem>>, vector<1x65536xf32>
    %get3A_181 = vector.shape_cast %get3A_180 : vector<1x65536xf32> to vector<65536xf32>
    %swap3A_182 = arith.constant 0 : index
    %swap3A_183 = vector.load %arg18[%swap3A_182] : memref<65536xf32, #tpu.memory_space<vmem>>, vector<65536xf32>
    tpu.vector_store %arg18[%swap3A_182], %get3A_181 {strides = array<i32>} : memref<65536xf32, #tpu.memory_space<vmem>>, vector<65536xf32>,
    %get3A_184 = arith.constant 15 : index
    %get3A_185 = arith.constant 0 : index
    %get3A_186 = vector.load %arg2[%get3A_184, %get3A_185] : memref<16x65536xf32, #tpu.memory_space<vmem>>, vector<1x65536xf32>
    %get3A_187 = vector.shape_cast %get3A_186 : vector<1x65536xf32> to vector<65536xf32>
    %swap3A_188 = arith.constant 0 : index
    %swap3A_189 = vector.load %arg34[%swap3A_188] : memref<65536xf32, #tpu.memory_space<vmem>>, vector<65536xf32>
    tpu.vector_store %arg34[%swap3A_188], %get3A_187 {strides = array<i32>} : memref<65536xf32, #tpu.memory_space<vmem>>, vector<65536xf32>,
    return
  }
  func.func @transform_0(%arg0: i32) -> (i32, i32) {
    %c0_i32 = arith.constant 0 : i32
    %c0_i32_0 = arith.constant 0 : i32
    return %c0_i32, %arg0 : i32, i32
  }
  func.func @transform_1(%arg0: i32) -> (i32, i32) {
    %c0_i32 = arith.constant 0 : i32
    %c0_i32_0 = arith.constant 0 : i32
    return %c0_i32, %arg0 : i32, i32
  }
  func.func @transform_2(%arg0: i32) -> i32 {
    %c0_i32 = arith.constant 0 : i32
    return %arg0 : i32
  }
  func.func @transform_3(%arg0: i32) -> i32 {
    %c0_i32 = arith.constant 0 : i32
    return %arg0 : i32
  }
  func.func @transform_4(%arg0: i32) -> i32 {
    %c0_i32 = arith.constant 0 : i32
    return %arg0 : i32
  }
  func.func @transform_5(%arg0: i32) -> i32 {
    %c0_i32 = arith.constant 0 : i32
    return %arg0 : i32
  }
  func.func @transform_6(%arg0: i32) -> i32 {
    %c0_i32 = arith.constant 0 : i32
    return %arg0 : i32
  }
  func.func @transform_7(%arg0: i32) -> i32 {
    %c0_i32 = arith.constant 0 : i32
    return %arg0 : i32
  }
  func.func @transform_8(%arg0: i32) -> i32 {
    %c0_i32 = arith.constant 0 : i32
    return %arg0 : i32
  }
  func.func @transform_9(%arg0: i32) -> i32 {
    %c0_i32 = arith.constant 0 : i32
    return %arg0 : i32
  }
  func.func @transform_10(%arg0: i32) -> i32 {
    %c0_i32 = arith.constant 0 : i32
    return %arg0 : i32
  }
  func.func @transform_11(%arg0: i32) -> i32 {
    %c0_i32 = arith.constant 0 : i32
    return %arg0 : i32
  }
  func.func @transform_12(%arg0: i32) -> i32 {
    %c0_i32 = arith.constant 0 : i32
    return %arg0 : i32
  }
  func.func @transform_13(%arg0: i32) -> i32 {
    %c0_i32 = arith.constant 0 : i32
    return %arg0 : i32
  }
  func.func @transform_14(%arg0: i32) -> i32 {
    %c0_i32 = arith.constant 0 : i32
    return %arg0 : i32
  }
  func.func @transform_15(%arg0: i32) -> i32 {
    %c0_i32 = arith.constant 0 : i32
    return %arg0 : i32
  }
  func.func @transform_16(%arg0: i32) -> i32 {
    %c0_i32 = arith.constant 0 : i32
    return %arg0 : i32
  }
  func.func @transform_17(%arg0: i32) -> i32 {
    %c0_i32 = arith.constant 0 : i32
    return %arg0 : i32
  }
  func.func @transform_18(%arg0: i32) -> i32 {
    %c0_i32 = arith.constant 0 : i32
    return %arg0 : i32
  }
  func.func @transform_19(%arg0: i32) -> i32 {
    %c0_i32 = arith.constant 0 : i32
    return %arg0 : i32
  }
  func.func @transform_20(%arg0: i32) -> i32 {
    %c0_i32 = arith.constant 0 : i32
    return %arg0 : i32
  }
  func.func @transform_21(%arg0: i32) -> i32 {
    %c0_i32 = arith.constant 0 : i32
    return %arg0 : i32
  }
  func.func @transform_22(%arg0: i32) -> i32 {
    %c0_i32 = arith.constant 0 : i32
    return %arg0 : i32
  }
  func.func @transform_23(%arg0: i32) -> i32 {
    %c0_i32 = arith.constant 0 : i32
    return %arg0 : i32
  }
  func.func @transform_24(%arg0: i32) -> i32 {
    %c0_i32 = arith.constant 0 : i32
    return %arg0 : i32
  }
  func.func @transform_25(%arg0: i32) -> i32 {
    %c0_i32 = arith.constant 0 : i32
    return %arg0 : i32
  }
  func.func @transform_26(%arg0: i32) -> i32 {
    %c0_i32 = arith.constant 0 : i32
    return %arg0 : i32
  }
  func.func @transform_27(%arg0: i32) -> i32 {
    %c0_i32 = arith.constant 0 : i32
    return %arg0 : i32
  }
  func.func @transform_28(%arg0: i32) -> i32 {
    %c0_i32 = arith.constant 0 : i32
    return %arg0 : i32
  }
  func.func @transform_29(%arg0: i32) -> i32 {
    %c0_i32 = arith.constant 0 : i32
    return %arg0 : i32
  }
  func.func @transform_30(%arg0: i32) -> i32 {
    %c0_i32 = arith.constant 0 : i32
    return %arg0 : i32
  }
  func.func @transform_31(%arg0: i32) -> i32 {
    %c0_i32 = arith.constant 0 : i32
    return %arg0 : i32
  }
  func.func @transform_32(%arg0: i32) -> i32 {
    %c0_i32 = arith.constant 0 : i32
    return %arg0 : i32
  }
  func.func @transform_33(%arg0: i32) -> i32 {
    %c0_i32 = arith.constant 0 : i32
    return %arg0 : i32
  }
}

</mosaic_0001>

<sc_bundles>
// kernel: kernel.5.cloned.1.call-start
scs
__scs_entry_jumppad:
0x0: {  	(pc) =	sbr.rel $0x88, $3  }
0x1: {  	(tag) =	ssettag $0x0;
	lr =	simm.s32 $0x1  }
0x2: {  	[smem:$0x3F97] =	sst lr;
	_ =	strace $0xD0000000  }
0x3: {  	_ = 	snop  }
0x4: {  	_ = 	snop  }
0x5: {  	_ = 	snop  }
0x6: {  	_ = 	snop  }
0x7: {  	_ = 	snop  }
__scs_overlays_trampoline_lowered:
0x8: {  	[smem:$0x3FA6] =	sst s0  }
0x9: {  	[smem:$0x3FA7] =	sst s1  }
0xa: {  	[smem:$0x3FA8] =	sst s2  }
0xb: {  	[smem:$0x3FA9] =	sst s3  }
0xc: {  	[smem:$0x3FAA] =	sst s4  }
0xd: {  	[smem:$0x3FAB] =	sst s5  }
0xe: {  	[smem:$0x3FAC] =	sst s6  }
0xf: {  	[smem:$0x3FAD] =	sst s7  }
0x10: {  	[smem:$0x3FAE] =	sst s8  }
0x11: {  	[smem:$0x3FAF] =	sst s9;
	s0 =	simm.s32 @!p0 $0x0  }
0x12: {  	s1 =	sld [smem:$0x3F95];
	s0 =	simm.s32 @p0 $0x1  }
0x13: {  	[smem:$0x3FB0] =	sst s0;
	s0 =	simm.s32 @!p1 $0x0  }
0x14: {  	s2 =	sld [smem:$0x3F94];
	s0 =	simm.s32 @p1 $0x1  }
0x15: {  	[smem:$0x3FB1] =	sst s0;
	s0 =	simm.s32 @!p2 $0x0  }
0x16: {  	s3 =	sld [smem:$0x3FDB];
	s0 =	simm.s32 @p2 $0x1  }
0x17: {  	s4 =	simm.s32 $0x1BF5;
	[smem:$0x3FB3] =	sst s0  }
0x18: {  	s0 =	sld [smem:$0x3F96];
	_ =	swait.ge [sflag:s4], $0x0  }
0x19: {  	s7 =	sld [smem:$0x3F97]  }
0x1a: {  	s8 =	sadd.s32 $0xFFFFE003, lr  }
0x1b: {  	s9 =	sadd.s32 $0xFFFFFEF7, lr;
	s5 =	simm.s32 $0xFFFFFFFF;
	p2 =	slt.u32 s8, $0xFFFFF086  }
0x1c: {  	p1 =	slt.u32 s9, $0xF7A;
	s5 =	simm.s32 @!p2 $0x0  }
0x1d: {  	s5 =	simm.s32 @p1 $0x1;
	p0 =	seq.s32 s7, s2  }
0x1e: {  	s7 =	smul.u32 @!p0 $0xF7A, s2;
	p2 =	seq.s32 @!p0 s5, $0x0  }
0x1f: {  	s9 =	smul.u32 $0xF7A, s1;
	s8 =	simm.s32 @!p0 $0x1BF5;
	p2 =	por !p2, p0  }
0x20: {  	[sflag:s8] =	ssyncset.s32 @!p0 $0xFFFFF086;
	s6 =	sadd.s32 @!p0 s3, s7;
	s7 =	simm.s32 @!p0 $0x108  }
0x21: {  	s3 =	sadd.s32 s3, s9;
	s6 =	sadd.s32 @!p0 $0x88, s6;
	s7 =	simm.s32 @p2 $0x1082  }
0x22: {  	[simem:s7], [sflag:s8] =	dma.local @!p0 [hbm:s6], $0xF7A  }
0x23: {  	s9 =	sor.u32 $0xD0000000, s2;
	s6 =	simm.s32 $0x108;
	_ =	swait.ge @!p0 [sflag:s8], $0x0  }
0x24: {  	s3 =	sadd.s32 $0x88, s3;
	s6 =	simm.s32 @!p1 $0x1082;
	[sflag:s4] =	ssyncset.s32 $0xFFFFF086  }
0x25: {  	[simem:s6], [sflag:s4] =	dma.local [hbm:s3], $0xF7A  }
0x26: {  	[smem:$0x3F97] =	sst s1;
	(tag) =	ssettag s2;
	_ =	strace s9  }
0x27: {  	s1 =	sld [smem:$0x3FA7]  }
0x28: {  	s2 =	sld [smem:$0x3FA8]  }
0x29: {  	s4 =	sld [smem:$0x3FAA]  }
0x2a: {  	p0 =	seq.s32 s5, $0x0;
	s5 =	sld [smem:$0x3FAB]  }
0x2b: {  	s6 =	sld [smem:$0x3FAC]  }
0x2c: {  	s7 =	sld [smem:$0x3FAD]  }
0x2d: {  	s3 =	simm.s32 $0x108;
	s8 =	sld [smem:$0x3FAE]  }
0x2e: {  	s3 =	simm.s32 @!p0 $0x1082;
	s9 =	sld [smem:$0x3FAF]  }
0x2f: {  	lr =	sadd.s32 s0, s3;
	s0 =	sld [smem:$0x3FA6]  }
0x30: {  	s3 =	sld [smem:$0x3FA9]  }
0x31: {  	[smem:$0x3FB2] =	sst s10  }
0x32: {  	s10 =	sld [smem:$0x3FB0];
	_ =	sdelay $0x3  }
0x33: {  	p0 =	seq.s32 s10, $0x1;
	s10 =	sld [smem:$0x3FB2];
	_ =	sdelay $0x3  }
0x34: {  	[smem:$0x3FB2] =	sst s10  }
0x35: {  	s10 =	sld [smem:$0x3FB1];
	_ =	sdelay $0x3  }
0x36: {  	p1 =	seq.s32 s10, $0x1;
	s10 =	sld [smem:$0x3FB2];
	_ =	sdelay $0x3  }
0x37: {  	[smem:$0x3FB2] =	sst s10  }
0x38: {  	s10 =	sld [smem:$0x3FB3]  }
0x39: {  	_ = 	snop;
	(pc) =	sbr.ind lr, $3  }
0x3a: {  	_ = 	snop  }
0x3b: {  	_ = 	snop  }
0x3c: {  	p2 =	seq.s32 s10, $0x1;
	s10 =	sld [smem:$0x3FB2]  }
0x3d: {  	_ =	shalt  }
0x3e: {  	_ =	shalt  }
0x3f: {  	_ =	shalt  }
0x40: {  	_ =	shalt  }
0x41: {  	_ =	shalt  }
0x42: {  	_ =	shalt  }
0x43: {  	_ =	shalt  }
0x44: {  	_ =	shalt  }
0x45: {  	_ =	shalt  }
0x46: {  	_ =	shalt  }
0x47: {  	_ =	shalt  }
0x48: {  	_ =	shalt  }
0x49: {  	_ =	shalt  }
0x4a: {  	_ =	shalt  }
0x4b: {  	_ =	shalt  }
0x4c: {  	_ =	shalt  }
0x4d: {  	_ =	shalt  }
0x4e: {  	_ =	shalt  }
0x4f: {  	_ =	shalt  }
0x50: {  	_ =	shalt  }
0x51: {  	_ =	shalt  }
0x52: {  	_ =	shalt  }
0x53: {  	_ =	shalt  }
0x54: {  	_ =	shalt  }
0x55: {  	_ =	shalt  }
0x56: {  	_ =	shalt  }
0x57: {  	_ =	shalt  }
0x58: {  	_ =	shalt  }
0x59: {  	_ =	shalt  }
0x5a: {  	_ =	shalt  }
0x5b: {  	_ =	shalt  }
0x5c: {  	_ =	shalt  }
0x5d: {  	_ =	shalt  }
0x5e: {  	_ =	shalt  }
0x5f: {  	_ =	shalt  }
0x60: {  	_ =	shalt  }
0x61: {  	_ =	shalt  }
0x62: {  	_ =	shalt  }
0x63: {  	_ =	shalt  }
0x64: {  	_ =	shalt  }
0x65: {  	_ =	shalt  }
0x66: {  	_ =	shalt  }
0x67: {  	_ =	shalt  }
0x68: {  	_ =	shalt  }
0x69: {  	_ =	shalt  }
0x6a: {  	_ =	shalt  }
0x6b: {  	_ =	shalt  }
0x6c: {  	_ =	shalt  }
0x6d: {  	_ =	shalt  }
0x6e: {  	_ =	shalt  }
0x6f: {  	_ =	shalt  }
0x70: {  	_ =	shalt  }
0x71: {  	_ =	shalt  }
0x72: {  	_ =	shalt  }
0x73: {  	_ =	shalt  }
0x74: {  	_ =	shalt  }
0x75: {  	_ =	shalt  }
0x76: {  	_ =	shalt  }
0x77: {  	_ =	shalt  }
0x78: {  	_ =	shalt  }
0x79: {  	_ =	shalt  }
0x7a: {  	_ =	shalt  }
0x7b: {  	_ =	shalt  }
0x7c: {  	_ =	shalt  }
0x7d: {  	_ =	shalt  }
0x7e: {  	_ =	shalt  }
0x7f: {  	_ =	shalt  }
0x80: {  	_ =	shalt  }
0x81: {  	_ =	shalt  }
0x82: {  	_ =	shalt  }
0x83: {  	_ =	shalt  }
0x84: {  	_ =	shalt  }
0x85: {  	_ =	shalt  }
0x86: {  	_ =	shalt  }
0x87: {  	_ =	shalt  }
.Lfunc_end0:
.L_simem_size_0:
called_computation_lowered:
.L_overlay_start_0:
0x88: {  	s2 =	sld [smem:$0x3FD9]  }
0x89: {  	s3 =	sld [smem:$0x3FFE];
	_ =	sdelay $0x1  }
0x8a: {  	s1 =	srdreg.scid  }
0x8b: {  	s0 =	sand.u32 $0x1, s1  }
0x8c: {  	s17 =	sshll.u32 s0, $0xA;
	s2 =	sadd.s32 s3, s2  }
0x8d: {  	s2 =	sadd.s32 s2, s17  }
0x8e: {  	[smem:$0x3FBE] =	sst s2  }
0x8f: {  	_ = 	snop  }
0x90: {  	s2 =	sld [smem:$0x3FC9]  }
0x91: {  	s18 =	sld [smem:$0x3FC8]  }
0x92: {  	s4 =	sld [smem:$0x3FC7]  }
0x93: {  	s5 =	sld [smem:$0x3FC6]  }
0x94: {  	s6 =	sld [smem:$0x3FC4]  }
0x95: {  	s7 =	sld [smem:$0x3FC3]  }
0x96: {  	s8 =	sld [smem:$0x3FC2]  }
0x97: {  	s9 =	sld [smem:$0x3FD0];
	(tm) =	ssettm $0x1  }
0x98: {  	s10 =	sld [smem:$0x3FFB];
	_ =	sdelay $0x3  }
0x99: {  	_ =	strace s10  }
0x9a: {  	s10 =	sld [smem:$0x3FFC];
	_ =	sdelay $0x3  }
0x9b: {  	_ =	strace s10  }
0x9c: {  	s10 =	sld [smem:$0x3FFD];
	_ =	sdelay $0x3  }
0x9d: {  	_ =	strace s10  }
0x9e: {  	_ =	strace $0x8FFFFFFF  }
0x9f: {  	s19 =	sld [smem:$0x3FDB];
	_ =	sdelay $0x1  }
0xa0: {  	s11 =	simm.s32 $_scs_section_size  }
0xa1: {  	s12 =	simm.s32 $_size__tile_overlayer_lowered;
	s13 =	simm.s32 $_tile_overlayer_lowered  }
0xa2: {  	s22 =	simm.s32 $0x1BFF;
	s21 =	sshll.u32 s13, $0x1;
	s10 =	sadd.s32 s11, s19  }
0xa3: {  	s14 =	simm.s32 $0x0;
	s20 =	sshll.u32 s12, $0x1;
	s12 =	sadd.s32 s21, s10  }
0xa4: {  	[timem:s14], [sflag:s22] =	dma.local [hbm:s12], s20  }
0xa5: {  	_ =	swait.ge [sflag:s22], s20  }
0xa6: {  	s11 =	ssub.s32 $0x0, s20;
	[sflag:s22] =	ssyncset.done $0x0  }
0xa7: {  	[sflag:s22] =	ssyncadd.s32 s11;
	_ =	sdelay $0x1  }
0xa8: {  	s23 =	simm.s32 $0x1B8B  }
0xa9: {  	_ =	swait.ge [sflag:s23], $0x1  }
0xaa: {  	[sflag:s23] =	ssyncset.done $0x0  }
0xab: {  	s25 =	simm.s32 $0x1B8E;
	s24 =	sld [smem:$0x3FFE];
	[sflag:s23] =	ssyncadd.s32 $0xFFFFFFFF  }
0xac: {  	s26 =	simm.s32 $execute0_lowered;
	[smem:$0x3FD2] =	sst s25  }
0xad: {  	s12 =	sshll.u32 s26, $0x1;
	_ =	strace $0x80000046;
	[dreg:$0x1] =	wrdreg $0xFFFFFFFF  }
0xae: {  	s28 =	simm.s32 $_size_execute0_lowered;
	s10 =	sadd.s32 s10, s12;
	[dreg:$0x0] =	wrdreg $0x0  }
0xaf: {  	s12 =	sshll.u32 s28, $0x1;
	[dreg:$0x2] =	wrdreg s10  }
0xb0: {  	[dreg:$0x3] =	wrdreg s12  }
0xb1: {  	[dreg:$0x4] =	wrdreg $0xC0  }
0xb2: {  	_ =	task [dreg:s14], $0x5FFFF  }
0xb3: {  	[dreg:$0x1] =	wrdreg $0xFFFFFFFF  }
0xb4: {  	[dreg:$0x0] =	wrdreg $0x60  }
0xb5: {  	[dreg:$0x2] =	wrdreg s2  }
0xb6: {  	[dreg:$0x3] =	wrdreg s18  }
0xb7: {  	[dreg:$0x4] =	wrdreg s4  }
0xb8: {  	[dreg:$0x5] =	wrdreg s5  }
0xb9: {  	[dreg:$0x6] =	wrdreg s9  }
0xba: {  	[dreg:$0x7] =	wrdreg s6  }
0xbb: {  	[dreg:$0x8] =	wrdreg s7  }
0xbc: {  	[dreg:$0x9] =	wrdreg s8  }
0xbd: {  	[dreg:$0xa] =	wrdreg s24  }
0xbe: {  	[dreg:$0xb] =	wrdreg $0x9  }
0xbf: {  	_ =	task.clear_ibuf [dreg:s14], $0xCFFFF;
	_ =	strace $0x90000046  }
0xc0: {  	s29 =	simm.s32 $0x9;
	_ =	strace $0x80000048  }
0xc1: {  	_ =	swait.ge [sflag:s29], $0x1  }
0xc2: {  	[sflag:s29] =	ssyncadd.s32 $0xFFFFFFFF  }
0xc3: {  	_ =	strace $0x90000048  }
0xc4: {  	_ =	sfence  }
0xc5: {  	s30 =	sld [smem:$0x0];
	_ =	sdelay $0x2  }
0xc6: {  	s31 =	sshll.u32 s1, $0xD;
	s1 =	sshrl.u32 s1, $0x2  }
0xc7: {  	s3 =	sand.u32 $0x4000, s31;
	s1 =	sadd.s32 s1, s30  }
0xc8: {  	s0 =	sor.u32 s3, s0;
	s1 =	sshll.u32 s1, $0x11  }
0xc9: {  	s0 =	sor.u32 s1, s0  }
0xca: {  	s0 =	sadd.s32 $0x8F2B, s0  }
0xcb: {  	[sflag:s0] =	ssyncadd.remote.s32 $0x1  }
0xcc: {  	_ =	sfence.sel $0xFFFF  }
0xcd: {  	[dreg:$0x0] =	wrdreg $0xFFFFFFFF;
	(pc) =	sbr.abs _section_cstart, $3  }
0xce: {  	[dreg:$0x1] =	wrdreg $0xFFFFFFFF  }
0xcf: {  	_ =	task.clear_ibuf [dreg:s14], $0x2FFFF;
	_ =	strace $0x9FFFFFFF  }
0xd0: {  	(tm) =	ssettm $0x7FFFFFFF  }
0xd1: {  	_ =	shalt  }
tec
execute0_lowered:
.L_overlay_start_1:
0x0: {  	(tag) =	ssettag $0x1  }
0x1: {  	s7 =	rddreg [dreg:$0x0]  }
0x2: {  	s8 =	rddreg [dreg:$0x1]  }
0x3: {  	s9 =	rddreg [dreg:$0x2]  }
0x4: {  	s10 =	rddreg [dreg:$0x3]  }
0x5: {  	s1 =	rddreg [dreg:$0x4]  }
0x6: {  	s2 =	rddreg [dreg:$0x5]  }
0x7: {  	s3 =	rddreg [dreg:$0x6]  }
0x8: {  	s5 =	rddreg [dreg:$0x7]  }
0x9: {  	s11 =	rddreg [dreg:$0x8];
	s6 =	srdreg.scid  }
0xa: {  	s0 =	rddreg [dreg:$0x9];
	s4 =	stileid.u32;
	s15 =	simm.s32 $0x400  }
0xb: {  	s16 =	simm.s32 $0x600;
	s17 =	simm.s32 $0x800;
	s18 =	simm.s32 $0x810  }
0xc: {  	s19 =	simm.s32 $0xA10;
	s20 =	simm.s32 $0xC10;
	s21 =	simm.s32 $0x1  }
0xd: {  	s22 =	simm.s32 $0xE10;
	s23 =	simm.s32 $0x0;
	s12 =	sand.u32 $0x1, s6  }
0xe: {  	s6 =	simm.s32 $0x0;
	s13 =	sshll.u32 s4, $0x7;
	s14 =	sshll.u32 s12, $0x6  }
0xf: {  	[smem:$0x7FF] =	sst s6;
	s12 =	ssub.s32 $0x2, s12;
	s13 =	sor.u32 s14, s13  }
0x10: {  	_ =	strace $0x80000047;
	s31 =	sshrl.u32 s12, $0x1;
	s14 =	simm.s32 $0x200  }
0x11: {  	s11 =	sadd.s32 s13, s11;
	s12 =	ssub.s32 s12, s31;
	s7 =	sadd.s32 s7, s13  }
0x12: {  	s8 =	sadd.s32 s8, s13;
	s9 =	sadd.s32 s9, s13;
	s10 =	sadd.s32 s10, s13  }
0x13: {  	s13 =	simm.s32 $0x2;
	s11 =	sadd.s32 $0x1600, s11;
	s12 =	smax.u32 s12, $0x1  }
.LBB2_1:
0x14: {  	[tilespmem:s6], [sflag:$0x2] =	stream.linear.gather [hbm4b:s7+s6], $0x200, $0x38;
	[tilespmem:$0x1010] =	vst v63  }
0x15: {  	_ =	swait.ge [sflag:s13], $0x200  }
0x16: {  	[sflag:s13] =	ssyncset.done $0x0  }
0x17: {  	[sflag:s13] =	ssyncadd.s32 $0xFFFFFE00  }
0x18: {  	[tilespmem:s14], [sflag:$0x2] =	stream.linear.gather [hbm4b:s8+s6], $0x200, $0x38;
	[tilespmem:$0x1010] =	vst v63  }
0x19: {  	_ =	swait.ge [sflag:s13], $0x200  }
0x1a: {  	[sflag:s13] =	ssyncset.done $0x0  }
0x1b: {  	[sflag:s13] =	ssyncadd.s32 $0xFFFFFE00  }
0x1c: {  	[tilespmem:s15], [sflag:$0x2] =	stream.linear.gather [hbm4b:s9+s6], $0x200, $0x38;
	[tilespmem:$0x1010] =	vst v63  }
0x1d: {  	_ =	swait.ge [sflag:s13], $0x200  }
0x1e: {  	[sflag:s13] =	ssyncset.done $0x0  }
0x1f: {  	[sflag:s13] =	ssyncadd.s32 $0xFFFFFE00  }
0x20: {  	[tilespmem:s16], [sflag:$0x2] =	stream.linear.gather [hbm4b:s10+s6], $0x200, $0x38;
	[tilespmem:$0x1010] =	vst v63  }
0x21: {  	_ =	swait.ge [sflag:s13], $0x200  }
0x22: {  	[sflag:s13] =	ssyncset.done $0x0  }
0x23: {  	[sflag:s13] =	ssyncadd.s32 $0xFFFFFE00  }
0x24: {  	[tilespmem:s17], [sflag:$0x2] =	stream.linear.gather [hbm4b:s1+s6], $0x10, $0x38;
	[tilespmem:$0x1010] =	vst v63  }
0x25: {  	_ =	swait.ge [sflag:s13], $0x10  }
0x26: {  	[sflag:s13] =	ssyncset.done $0x0  }
0x27: {  	[sflag:s13] =	ssyncadd.s32 $0xFFFFFFF0  }
0x28: {  	[tilespmem:s18], [sflag:$0x1] =	stream.indirect.gather [hbm4b:s2+s14], $0x1, s6, s14, $0xb8;
	[tilespmem:$0x1010] =	vst v63  }
0x29: {  	_ = 	snop  }
0x2a: {  	[tilespmem:s19], [sflag:$0x1] =	stream.indirect.gather [hbm4b:s3+s14], $0x1, s14, s14, $0xb8;
	[tilespmem:$0x1010] =	vst v63  }
0x2b: {  	_ = 	snop  }
0x2c: {  	[tilespmem:s20], [sflag:$0x1] =	stream.indirect.gather [hbm4b:s5+s14], $0x1, s6, s14, $0xb8;
	[tilespmem:$0x1010] =	vst v63  }
0x2d: {  	_ =	swait.ge [sflag:s21], $0x200  }
0x2e: {  	[sflag:s21] =	ssyncset.done $0x0  }
0x2f: {  	[sflag:s21] =	ssyncadd.s32 $0xFFFFFE00  }
0x30: {  	_ =	swait.ge [sflag:s21], $0x200  }
0x31: {  	[sflag:s21] =	ssyncset.done $0x0  }
0x32: {  	[sflag:s21] =	ssyncadd.s32 $0xFFFFFE00  }
0x33: {  	_ =	swait.ge [sflag:s21], $0x200  }
0x34: {  	[sflag:s21] =	ssyncset.done $0x0  }
0x35: {  	[sflag:s21] =	ssyncadd.s32 $0xFFFFFE00  }
0x36: {  	s24 =	simm.s32 $0x0;
	v0 =	vld [tilespmem:$0x800]  }
0x37: {  	v2 =	vld [tilespmem:s24+$0xA10]  }
0x38: {  	v1 =	vld [tilespmem:s24+$0x810]  }
0x39: {  	v5 =	vld [tilespmem:s24+$0xC10]  }
0x3a: {  	v6 =	vld [tilespmem:s24+$0x400];
	_ =	sdelay $0x1  }
0x3b: {  	s25 =	simm.s32 $0x10;
	v4 =	vld [tilespmem:s24+$0x600]  }
0x3c: {  	v7 =	vadd.f32 v1, v0;
	v1 =	vld [tilespmem:s25+$0xA10]  }
0x3d: {  	v3 =	vld [tilespmem:s25+$0x810]  }
0x3e: {  	v6 =	vmul.f32 v6, v5;
	v5 =	vld [tilespmem:s25+$0x400];
	v7 =	vadd.f32 v2, v7  }
0x3f: {  	v2 =	vld [tilespmem:s25+$0xC10]  }
0x40: {  	s26 =	simm.s32 $0x80;
	v6 =	vadd.f32 v6, v7  }
.LBB2_2:
0x41: {  	s28 =	sshra.s32 s26, $0x2;
	v7 =	vld [tilespmem:s25+$0x600];
	v8 =	vmov v1;
	p0 =	sne.s32 s26, $0x7C0  }
.Ltmp0:
0x42: {  	s26 =	sadd.s32 $0x40, s26;
	v1 =	vld [tilespmem:s28+$0xA10];
	v9 =	vadd.f32 v3, v0;
	v4 =	vsub.f32 v6, v4;
	(pc) =	sbr.rel @p0 .LBB2_2-.Ltmp0, $4  }
0x43: {  	v3 =	vld [tilespmem:s28+$0x810]  }
0x44: {  	v6 =	vadd.f32 v8, v9;
	v8 =	vmul.f32 v5, v2;
	v2 =	vld [tilespmem:s28+$0xC10];
	[tilespmem:s24+$0xE10] =	vst v4;
	s24 =	smov.u32 s25;
	s25 =	smov.u32 s28  }
0x45: {  	v5 =	vld [tilespmem:s25+$0x400]  }
0x46: {  	v6 =	vadd.f32 v8, v6;
	v4 =	vmov v7  }
0x47: {  	_ = 	snop  }
0x48: {  	v0 =	vadd.f32 v3, v0  }
0x49: {  	v61 =	vld [tilespmem:s25+$0x600]  }
0x4a: {  	v0 =	vadd.f32 v1, v0;
	v62 =	vmul.f32 v5, v2;
	_ =	sdelay $0x1  }
0x4b: {  	v0 =	vadd.f32 v62, v0  }
0x4c: {  	v63 =	vsub.f32 v6, v4  }
0x4d: {  	s23 =	sadd.s32 $0x1, s23;
	v0 =	vsub.f32 v0, v61  }
0x4e: {  	p0 =	sne.s32 s23, s12;
	[tilespmem:s24+$0xE10] =	vst v63  }
.Ltmp1:
0x4f: {  	[tilespmem:s25+$0xE10] =	vst v0;
	(pc) =	sbr.rel @p0 .LBB2_1-.Ltmp1, $4  }
0x50: {  	[hbm4b:s11+s6] =	stream.linear.scatter [tilespmem:s22], [sflag:$0x2], $0x200, $0x38;
	[tilespmem:$0x1010] =	vst v63  }
0x51: {  	_ =	swait.ge [sflag:s13], $0x200  }
0x52: {  	[sflag:s13] =	ssyncset.done $0x0  }
0x53: {  	[sflag:s13] =	ssyncadd.s32 $0xFFFFFE00  }
0x54: {  	_ =	sfence.sel $0x180000  }
0x55: {  	[bflag:$0x0] =	sbarrier.arrive $0xFFFF  }
0x56: {  	p0 =	sne.s32 s4, $0x0;
	_ =	strace $0x90000047  }
0x57: {  	s0 =	sadd.s32 @!p0 $0x100000, s0;
	[bflag:$0x2] =	sbarrier.arrive $0xFFFF  }
0x58: {  	[sflag:s0] =	ssyncadd.tile.s32 @!p0 $0x1;
	_ =	shalt  }
.Lfunc_end2:
_tile_overlayer_lowered:
.L_overlay_start_2:
0x59: {  	(tag) =	ssettag $0x2  }
0x5a: {  	s0 =	rddreg [dreg:$0x0];
	s2 =	stileid.u32  }
0x5b: {  	s1 =	rddreg [dreg:$0x1];
	p0 =	sne.s32 s2, $0x0  }
0x5c: {  	s3 =	rddreg [dreg:$0x2];
	[bflag:$0x3] =	sbarrier.arrive $0xFFFF;
	s2 =	simm.s32 @!p0 $0x1C02  }
0x5d: {  	[timem:s3], [sflag:s2] =	dma.local @!p0 [hbm:s0], s1  }
0x5e: {  	s0 =	simm.s32 @!p0 $0x2  }
0x5f: {  	_ =	swait.ge @!p0 [sflag:s0], s1  }
0x60: {  	s1 =	ssub.s32 @!p0 $0x0, s1;
	[sflag:s0] =	ssyncset.done @!p0 $0x0  }
0x61: {  	[sflag:s0] =	ssyncadd.s32 @!p0 s1  }
0x62: {  	[bflag:$0x3] =	sbarrier.arrive $0xFFFF  }
0x63: {  	_ =	shalt  }

// kernel: kernel.8.cloned.1.call-start
scs
__scs_entry_jumppad:
0x0: {  	(pc) =	sbr.rel $0x88, $3  }
0x1: {  	(tag) =	ssettag $0x0;
	lr =	simm.s32 $0x1  }
0x2: {  	[smem:$0x3F97] =	sst lr;
	_ =	strace $0xD0000000  }
0x3: {  	_ = 	snop  }
0x4: {  	_ = 	snop  }
0x5: {  	_ = 	snop  }
0x6: {  	_ = 	snop  }
0x7: {  	_ = 	snop  }
__scs_overlays_trampoline_lowered:
0x8: {  	[smem:$0x3FA6] =	sst s0  }
0x9: {  	[smem:$0x3FA7] =	sst s1  }
0xa: {  	[smem:$0x3FA8] =	sst s2  }
0xb: {  	[smem:$0x3FA9] =	sst s3  }
0xc: {  	[smem:$0x3FAA] =	sst s4  }
0xd: {  	[smem:$0x3FAB] =	sst s5  }
0xe: {  	[smem:$0x3FAC] =	sst s6  }
0xf: {  	[smem:$0x3FAD] =	sst s7  }
0x10: {  	[smem:$0x3FAE] =	sst s8  }
0x11: {  	[smem:$0x3FAF] =	sst s9;
	s0 =	simm.s32 @!p0 $0x0  }
0x12: {  	s1 =	sld [smem:$0x3F95];
	s0 =	simm.s32 @p0 $0x1  }
0x13: {  	[smem:$0x3FB0] =	sst s0;
	s0 =	simm.s32 @!p1 $0x0  }
0x14: {  	s2 =	sld [smem:$0x3F94];
	s0 =	simm.s32 @p1 $0x1  }
0x15: {  	[smem:$0x3FB1] =	sst s0;
	s0 =	simm.s32 @!p2 $0x0  }
0x16: {  	s3 =	sld [smem:$0x3FDB];
	s0 =	simm.s32 @p2 $0x1  }
0x17: {  	s4 =	simm.s32 $0x1BF5;
	[smem:$0x3FB3] =	sst s0  }
0x18: {  	s0 =	sld [smem:$0x3F96];
	_ =	swait.ge [sflag:s4], $0x0  }
0x19: {  	s7 =	sld [smem:$0x3F97]  }
0x1a: {  	s8 =	sadd.s32 $0xFFFFE003, lr  }
0x1b: {  	s9 =	sadd.s32 $0xFFFFFEF7, lr;
	s5 =	simm.s32 $0xFFFFFFFF;
	p2 =	slt.u32 s8, $0xFFFFF086  }
0x1c: {  	p1 =	slt.u32 s9, $0xF7A;
	s5 =	simm.s32 @!p2 $0x0  }
0x1d: {  	s5 =	simm.s32 @p1 $0x1;
	p0 =	seq.s32 s7, s2  }
0x1e: {  	s7 =	smul.u32 @!p0 $0xF7A, s2;
	p2 =	seq.s32 @!p0 s5, $0x0  }
0x1f: {  	s9 =	smul.u32 $0xF7A, s1;
	s8 =	simm.s32 @!p0 $0x1BF5;
	p2 =	por !p2, p0  }
0x20: {  	[sflag:s8] =	ssyncset.s32 @!p0 $0xFFFFF086;
	s6 =	sadd.s32 @!p0 s3, s7;
	s7 =	simm.s32 @!p0 $0x108  }
0x21: {  	s3 =	sadd.s32 s3, s9;
	s6 =	sadd.s32 @!p0 $0x88, s6;
	s7 =	simm.s32 @p2 $0x1082  }
0x22: {  	[simem:s7], [sflag:s8] =	dma.local @!p0 [hbm:s6], $0xF7A  }
0x23: {  	s9 =	sor.u32 $0xD0000000, s2;
	s6 =	simm.s32 $0x108;
	_ =	swait.ge @!p0 [sflag:s8], $0x0  }
0x24: {  	s3 =	sadd.s32 $0x88, s3;
	s6 =	simm.s32 @!p1 $0x1082;
	[sflag:s4] =	ssyncset.s32 $0xFFFFF086  }
0x25: {  	[simem:s6], [sflag:s4] =	dma.local [hbm:s3], $0xF7A  }
0x26: {  	[smem:$0x3F97] =	sst s1;
	(tag) =	ssettag s2;
	_ =	strace s9  }
0x27: {  	s1 =	sld [smem:$0x3FA7]  }
0x28: {  	s2 =	sld [smem:$0x3FA8]  }
0x29: {  	s4 =	sld [smem:$0x3FAA]  }
0x2a: {  	p0 =	seq.s32 s5, $0x0;
	s5 =	sld [smem:$0x3FAB]  }
0x2b: {  	s6 =	sld [smem:$0x3FAC]  }
0x2c: {  	s7 =	sld [smem:$0x3FAD]  }
0x2d: {  	s3 =	simm.s32 $0x108;
	s8 =	sld [smem:$0x3FAE]  }
0x2e: {  	s3 =	simm.s32 @!p0 $0x1082;
	s9 =	sld [smem:$0x3FAF]  }
0x2f: {  	lr =	sadd.s32 s0, s3;
	s0 =	sld [smem:$0x3FA6]  }
0x30: {  	s3 =	sld [smem:$0x3FA9]  }
0x31: {  	[smem:$0x3FB2] =	sst s10  }
0x32: {  	s10 =	sld [smem:$0x3FB0];
	_ =	sdelay $0x3  }
0x33: {  	p0 =	seq.s32 s10, $0x1;
	s10 =	sld [smem:$0x3FB2];
	_ =	sdelay $0x3  }
0x34: {  	[smem:$0x3FB2] =	sst s10  }
0x35: {  	s10 =	sld [smem:$0x3FB1];
	_ =	sdelay $0x3  }
0x36: {  	p1 =	seq.s32 s10, $0x1;
	s10 =	sld [smem:$0x3FB2];
	_ =	sdelay $0x3  }
0x37: {  	[smem:$0x3FB2] =	sst s10  }
0x38: {  	s10 =	sld [smem:$0x3FB3]  }
0x39: {  	_ = 	snop;
	(pc) =	sbr.ind lr, $3  }
0x3a: {  	_ = 	snop  }
0x3b: {  	_ = 	snop  }
0x3c: {  	p2 =	seq.s32 s10, $0x1;
	s10 =	sld [smem:$0x3FB2]  }
0x3d: {  	_ =	shalt  }
0x3e: {  	_ =	shalt  }
0x3f: {  	_ =	shalt  }
0x40: {  	_ =	shalt  }
0x41: {  	_ =	shalt  }
0x42: {  	_ =	shalt  }
0x43: {  	_ =	shalt  }
0x44: {  	_ =	shalt  }
0x45: {  	_ =	shalt  }
0x46: {  	_ =	shalt  }
0x47: {  	_ =	shalt  }
0x48: {  	_ =	shalt  }
0x49: {  	_ =	shalt  }
0x4a: {  	_ =	shalt  }
0x4b: {  	_ =	shalt  }
0x4c: {  	_ =	shalt  }
0x4d: {  	_ =	shalt  }
0x4e: {  	_ =	shalt  }
0x4f: {  	_ =	shalt  }
0x50: {  	_ =	shalt  }
0x51: {  	_ =	shalt  }
0x52: {  	_ =	shalt  }
0x53: {  	_ =	shalt  }
0x54: {  	_ =	shalt  }
0x55: {  	_ =	shalt  }
0x56: {  	_ =	shalt  }
0x57: {  	_ =	shalt  }
0x58: {  	_ =	shalt  }
0x59: {  	_ =	shalt  }
0x5a: {  	_ =	shalt  }
0x5b: {  	_ =	shalt  }
0x5c: {  	_ =	shalt  }
0x5d: {  	_ =	shalt  }
0x5e: {  	_ =	shalt  }
0x5f: {  	_ =	shalt  }
0x60: {  	_ =	shalt  }
0x61: {  	_ =	shalt  }
0x62: {  	_ =	shalt  }
0x63: {  	_ =	shalt  }
0x64: {  	_ =	shalt  }
0x65: {  	_ =	shalt  }
0x66: {  	_ =	shalt  }
0x67: {  	_ =	shalt  }
0x68: {  	_ =	shalt  }
0x69: {  	_ =	shalt  }
0x6a: {  	_ =	shalt  }
0x6b: {  	_ =	shalt  }
0x6c: {  	_ =	shalt  }
0x6d: {  	_ =	shalt  }
0x6e: {  	_ =	shalt  }
0x6f: {  	_ =	shalt  }
0x70: {  	_ =	shalt  }
0x71: {  	_ =	shalt  }
0x72: {  	_ =	shalt  }
0x73: {  	_ =	shalt  }
0x74: {  	_ =	shalt  }
0x75: {  	_ =	shalt  }
0x76: {  	_ =	shalt  }
0x77: {  	_ =	shalt  }
0x78: {  	_ =	shalt  }
0x79: {  	_ =	shalt  }
0x7a: {  	_ =	shalt  }
0x7b: {  	_ =	shalt  }
0x7c: {  	_ =	shalt  }
0x7d: {  	_ =	shalt  }
0x7e: {  	_ =	shalt  }
0x7f: {  	_ =	shalt  }
0x80: {  	_ =	shalt  }
0x81: {  	_ =	shalt  }
0x82: {  	_ =	shalt  }
0x83: {  	_ =	shalt  }
0x84: {  	_ =	shalt  }
0x85: {  	_ =	shalt  }
0x86: {  	_ =	shalt  }
0x87: {  	_ =	shalt  }
.Lfunc_end0:
.L_simem_size_0:
called_computation.1_lowered:
.L_overlay_start_0:
0x88: {  	s2 =	sld [smem:$0x3FD9]  }
0x89: {  	s3 =	sld [smem:$0x3FFE];
	_ =	sdelay $0x1  }
0x8a: {  	s1 =	srdreg.scid  }
0x8b: {  	s0 =	sand.u32 $0x1, s1  }
0x8c: {  	s17 =	sshll.u32 s0, $0xA;
	s2 =	sadd.s32 s3, s2  }
0x8d: {  	s2 =	sadd.s32 s2, s17  }
0x8e: {  	[smem:$0x3FBE] =	sst s2  }
0x8f: {  	_ = 	snop  }
0x90: {  	s2 =	sld [smem:$0x3FC9]  }
0x91: {  	s18 =	sld [smem:$0x3FC8];
	(tm) =	ssettm $0x1  }
0x92: {  	s4 =	sld [smem:$0x3FFB];
	_ =	sdelay $0x3  }
0x93: {  	_ =	strace s4  }
0x94: {  	s4 =	sld [smem:$0x3FFC];
	_ =	sdelay $0x3  }
0x95: {  	_ =	strace s4  }
0x96: {  	s4 =	sld [smem:$0x3FFD];
	_ =	sdelay $0x3  }
0x97: {  	_ =	strace s4  }
0x98: {  	_ =	strace $0x8FFFFFFF  }
0x99: {  	s19 =	sld [smem:$0x3FDB];
	_ =	sdelay $0x1  }
0x9a: {  	s5 =	simm.s32 $_scs_section_size  }
0x9b: {  	s6 =	simm.s32 $_size__tile_overlayer_lowered;
	s7 =	simm.s32 $_tile_overlayer_lowered  }
0x9c: {  	s22 =	simm.s32 $0x1BFF;
	s21 =	sshll.u32 s7, $0x1;
	s4 =	sadd.s32 s5, s19  }
0x9d: {  	s8 =	simm.s32 $0x0;
	s20 =	sshll.u32 s6, $0x1;
	s6 =	sadd.s32 s21, s4  }
0x9e: {  	[timem:s8], [sflag:s22] =	dma.local [hbm:s6], s20  }
0x9f: {  	_ =	swait.ge [sflag:s22], s20  }
0xa0: {  	s5 =	ssub.s32 $0x0, s20;
	[sflag:s22] =	ssyncset.done $0x0  }
0xa1: {  	[sflag:s22] =	ssyncadd.s32 s5;
	_ =	sdelay $0x1  }
0xa2: {  	s23 =	simm.s32 $0x1B8B  }
0xa3: {  	_ =	swait.ge [sflag:s23], $0x1  }
0xa4: {  	[sflag:s23] =	ssyncset.done $0x0  }
0xa5: {  	s25 =	simm.s32 $0x1B8E;
	s24 =	sld [smem:$0x3FFE];
	[sflag:s23] =	ssyncadd.s32 $0xFFFFFFFF  }
0xa6: {  	s26 =	simm.s32 $execute0_lowered;
	[smem:$0x3FD2] =	sst s25  }
0xa7: {  	s6 =	sshll.u32 s26, $0x1;
	_ =	strace $0x80000049;
	[dreg:$0x1] =	wrdreg $0xFFFFFFFF  }
0xa8: {  	s28 =	simm.s32 $_size_execute0_lowered;
	s4 =	sadd.s32 s4, s6;
	[dreg:$0x0] =	wrdreg $0x0  }
0xa9: {  	s6 =	sshll.u32 s28, $0x1;
	[dreg:$0x2] =	wrdreg s4  }
0xaa: {  	[dreg:$0x3] =	wrdreg s6  }
0xab: {  	[dreg:$0x4] =	wrdreg $0xC0  }
0xac: {  	_ =	task [dreg:s8], $0x5FFFF  }
0xad: {  	[dreg:$0x1] =	wrdreg $0xFFFFFFFF  }
0xae: {  	[dreg:$0x0] =	wrdreg $0x60  }
0xaf: {  	[dreg:$0x2] =	wrdreg s2  }
0xb0: {  	[dreg:$0x3] =	wrdreg s18  }
0xb1: {  	[dreg:$0x4] =	wrdreg s24  }
0xb2: {  	[dreg:$0x5] =	wrdreg $0x47200  }
0xb3: {  	[dreg:$0x6] =	wrdreg $0x9  }
0xb4: {  	_ =	task.clear_ibuf [dreg:s8], $0x7FFFF;
	_ =	strace $0x90000049  }
0xb5: {  	s29 =	simm.s32 $0x9;
	_ =	strace $0x8000004B  }
0xb6: {  	_ =	swait.ge [sflag:s29], $0x1  }
0xb7: {  	[sflag:s29] =	ssyncadd.s32 $0xFFFFFFFF  }
0xb8: {  	_ =	strace $0x9000004B  }
0xb9: {  	_ =	sfence  }
0xba: {  	s30 =	sld [smem:$0x0];
	_ =	sdelay $0x2  }
0xbb: {  	s31 =	sshll.u32 s1, $0xD;
	s1 =	sshrl.u32 s1, $0x2  }
0xbc: {  	s3 =	sand.u32 $0x4000, s31;
	s1 =	sadd.s32 s1, s30  }
0xbd: {  	s0 =	sor.u32 s3, s0;
	s1 =	sshll.u32 s1, $0x11  }
0xbe: {  	s0 =	sor.u32 s1, s0  }
0xbf: {  	s0 =	sadd.s32 $0x8F2B, s0  }
0xc0: {  	[sflag:s0] =	ssyncadd.remote.s32 $0x1  }
0xc1: {  	_ =	sfence.sel $0xFFFF  }
0xc2: {  	[dreg:$0x0] =	wrdreg $0xFFFFFFFF;
	(pc) =	sbr.abs _section_cstart, $3  }
0xc3: {  	[dreg:$0x1] =	wrdreg $0xFFFFFFFF  }
0xc4: {  	_ =	task.clear_ibuf [dreg:s8], $0x2FFFF;
	_ =	strace $0x9FFFFFFF  }
0xc5: {  	(tm) =	ssettm $0x7FFFFFFF  }
tec
execute0_lowered:
.L_overlay_start_1:
0x0: {  	(tag) =	ssettag $0x1  }
0x1: {  	s0 =	rddreg [dreg:$0x0]  }
0x2: {  	s1 =	rddreg [dreg:$0x1]  }
0x3: {  	s6 =	rddreg [dreg:$0x2]  }
0x4: {  	s12 =	rddreg [dreg:$0x3];
	s2 =	simm.s32 $0x0;
	s3 =	srdreg.scid  }
0x5: {  	s7 =	stileid.u32;
	[smem:$0x7FF] =	sst s2;
	s8 =	sadd.s32 $0x33CC00, s6  }
0x6: {  	s18 =	sadd.s32 $0x35B600, s6;
	_ =	strace $0x8000004A;
	[dreg:$0x5] =	wrdreg s8  }
0x7: {  	s3 =	sand.u32 $0x1, s3;
	s19 =	sadd.s32 $0x398A00, s6;
	[dreg:$0x6] =	wrdreg s18  }
0x8: {  	s4 =	sshll.u32 s7, $0x7;
	s20 =	sadd.s32 $0x37A000, s6;
	[dreg:$0x7] =	wrdreg s19  }
0x9: {  	s21 =	sadd.s32 $0x3B7400, s6;
	s22 =	sadd.s32 $0x1E00, s6;
	[dreg:$0x8] =	wrdreg s20  }
0xa: {  	s23 =	sadd.s32 $0x20800, s6;
	s24 =	sadd.s32 $0x3F200, s6;
	[dreg:$0x9] =	wrdreg s21  }
0xb: {  	s25 =	sadd.s32 $0x5DC00, s6;
	s26 =	sadd.s32 $0x7C600, s6;
	[dreg:$0xa] =	wrdreg s22  }
0xc: {  	s9 =	sadd.s32 $0xB9A00, s6;
	s10 =	sadd.s32 $0xD8400, s6;
	[dreg:$0xb] =	wrdreg s23  }
0xd: {  	s11 =	sadd.s32 $0xF6E00, s6;
	s14 =	sadd.s32 $0x115800, s6;
	[dreg:$0xc] =	wrdreg s24  }
0xe: {  	s28 =	sadd.s32 $0x229200, s6;
	s29 =	sadd.s32 $0x247C00, s6;
	[dreg:$0xd] =	wrdreg s25  }
0xf: {  	s30 =	sadd.s32 $0x190000, s6;
	s31 =	sadd.s32 $0x266600, s6;
	[dreg:$0xe] =	wrdreg s26  }
0x10: {  	p0 =	sne.s32 s7, $0x0;
	s5 =	sshll.u32 s3, $0x6;
	[dreg:$0x10] =	wrdreg s9  }
0x11: {  	s8 =	sadd.s32 $0x9B000, s6;
	[dreg:$0x11] =	wrdreg s10;
	s18 =	sadd.s32 $0x134200, s6  }
0x12: {  	[dreg:$0x12] =	wrdreg s11;
	s19 =	sadd.s32 $0x152C00, s6;
	s20 =	sadd.s32 $0x171600, s6  }
0x13: {  	s13 =	ssub.s32 $0x2, s3;
	s22 =	sadd.s32 $0x1AEA00, s6;
	s23 =	sadd.s32 $0x1CD400, s6  }
0x14: {  	[dreg:$0x13] =	wrdreg s14;
	s25 =	sadd.s32 $0x1EBE00, s6;
	s26 =	sadd.s32 $0x20A800, s6  }
0x15: {  	s17 =	sshll.u32 s3, $0x1;
	s3 =	sadd.s32 $0x2C2400, s6;
	s11 =	sshll.u32 s7, $0x4  }
0x16: {  	s14 =	simm.s32 $0x0;
	s4 =	sor.u32 s5, s4;
	[dreg:$0xf] =	wrdreg s8  }
0x17: {  	s15 =	sshrl.u32 s13, $0x1;
	s9 =	sadd.s32 s17, s6;
	s5 =	sadd.s32 $0x2FF800, s6  }
0x18: {  	s8 =	sadd.s32 s11, s12;
	s11 =	simm.s32 $0x2;
	s12 =	simm.s32 $0x200  }
0x19: {  	s21 =	sadd.s32 s0, s4;
	s24 =	sadd.s32 s1, s4;
	s0 =	sadd.s32 $0x285000, s6  }
0x1a: {  	s16 =	sadd.s32 s4, s6;
	s1 =	sadd.s32 $0x2A3A00, s6;
	s4 =	sadd.s32 $0x2E0E00, s6  }
0x1b: {  	s10 =	ssub.s32 s13, s15;
	s6 =	sadd.s32 $0x31E200, s6;
	s9 =	sadd.s32 $0x3D5E00, s9  }
0x1c: {  	s13 =	simm.s32 $0x1;
	s7 =	sadd.s32 $0x1600, s16;
	s10 =	smax.u32 s10, $0x1  }
.LBB2_1:
0x1d: {  	[tilespmem:s2], [sflag:$0x2] =	stream.linear.gather [hbm4b:s21+s2], $0x200, $0x38;
	[tilespmem:$0x4730] =	vst v63  }
0x1e: {  	_ =	swait.ge [sflag:s11], $0x200  }
0x1f: {  	[sflag:s11] =	ssyncset.done $0x0  }
0x20: {  	[sflag:s11] =	ssyncadd.s32 $0xFFFFFE00  }
0x21: {  	[tilespmem:s12], [sflag:$0x2] =	stream.linear.gather [hbm4b:s24+s2], $0x200, $0x38;
	[tilespmem:$0x4730] =	vst v63  }
0x22: {  	_ =	swait.ge [sflag:s11], $0x200  }
0x23: {  	[sflag:s11] =	ssyncset.done $0x0  }
0x24: {  	s15 =	simm.s32 $0x400;
	[sflag:s11] =	ssyncadd.s32 $0xFFFFFE00  }
0x25: {  	[tilespmem:s15], [sflag:$0x2] =	stream.linear.gather [hbm4b:s7+s2], $0x200, $0x38;
	[tilespmem:$0x4730] =	vst v63  }
0x26: {  	_ =	swait.ge [sflag:s11], $0x200  }
0x27: {  	[sflag:s11] =	ssyncset.done $0x0  }
0x28: {  	s16 =	simm.s32 $0x600;
	s17 =	rddreg [dreg:$0x5];
	[sflag:s11] =	ssyncadd.s32 $0xFFFFFE00  }
0x29: {  	[tilespmem:s16], [sflag:$0x1] =	stream.indirect.gather [hbm4b:s17+s12], $0x1, s2, s12, $0xb8;
	[tilespmem:$0x4730] =	vst v63  }
0x2a: {  	s17 =	simm.s32 $0x2600  }
0x2b: {  	[tilespmem:s17], [sflag:$0x1] =	stream.indirect.gather [hbm4b:s19+s12], $0x1, s12, s12, $0xb8;
	[tilespmem:$0x4730] =	vst v63  }
0x2c: {  	s16 =	rddreg [dreg:$0x6];
	s17 =	simm.s32 $0x800  }
0x2d: {  	[tilespmem:s17], [sflag:$0x1] =	stream.indirect.gather [hbm4b:s16+s12], $0x1, s2, s12, $0xb8;
	[tilespmem:$0x4730] =	vst v63  }
0x2e: {  	s17 =	simm.s32 $0x2800  }
0x2f: {  	[tilespmem:s17], [sflag:$0x1] =	stream.indirect.gather [hbm4b:s20+s12], $0x1, s12, s12, $0xb8;
	[tilespmem:$0x4730] =	vst v63  }
0x30: {  	s16 =	rddreg [dreg:$0x8];
	s17 =	simm.s32 $0xA00  }
0x31: {  	[tilespmem:s17], [sflag:$0x1] =	stream.indirect.gather [hbm4b:s16+s12], $0x1, s2, s12, $0xb8;
	[tilespmem:$0x4730] =	vst v63  }
0x32: {  	s17 =	simm.s32 $0x2A00  }
0x33: {  	[tilespmem:s17], [sflag:$0x1] =	stream.indirect.gather [hbm4b:s30+s12], $0x1, s12, s12, $0xb8;
	[tilespmem:$0x4730] =	vst v63  }
0x34: {  	s16 =	rddreg [dreg:$0x7];
	s17 =	simm.s32 $0xC00  }
0x35: {  	[tilespmem:s17], [sflag:$0x1] =	stream.indirect.gather [hbm4b:s16+s12], $0x1, s2, s12, $0xb8;
	[tilespmem:$0x4730] =	vst v63  }
0x36: {  	s17 =	simm.s32 $0x2C00  }
0x37: {  	[tilespmem:s17], [sflag:$0x1] =	stream.indirect.gather [hbm4b:s22+s12], $0x1, s12, s12, $0xb8;
	[tilespmem:$0x4730] =	vst v63  }
0x38: {  	s16 =	rddreg [dreg:$0x9];
	s17 =	simm.s32 $0xE00  }
0x39: {  	[tilespmem:s17], [sflag:$0x1] =	stream.indirect.gather [hbm4b:s16+s12], $0x1, s2, s12, $0xb8;
	[tilespmem:$0x4730] =	vst v63  }
0x3a: {  	s17 =	simm.s32 $0x2E00  }
0x3b: {  	[tilespmem:s17], [sflag:$0x1] =	stream.indirect.gather [hbm4b:s23+s12], $0x1, s12, s12, $0xb8;
	[tilespmem:$0x4730] =	vst v63  }
0x3c: {  	s16 =	rddreg [dreg:$0xa];
	s17 =	simm.s32 $0x1000  }
0x3d: {  	[tilespmem:s17], [sflag:$0x1] =	stream.indirect.gather [hbm4b:s16+s12], $0x1, s2, s12, $0xb8;
	[tilespmem:$0x4730] =	vst v63  }
0x3e: {  	s17 =	simm.s32 $0x3000  }
0x3f: {  	[tilespmem:s17], [sflag:$0x1] =	stream.indirect.gather [hbm4b:s25+s12], $0x1, s12, s12, $0xb8;
	[tilespmem:$0x4730] =	vst v63  }
0x40: {  	s16 =	rddreg [dreg:$0xb];
	s17 =	simm.s32 $0x1200  }
0x41: {  	[tilespmem:s17], [sflag:$0x1] =	stream.indirect.gather [hbm4b:s16+s12], $0x1, s2, s12, $0xb8;
	[tilespmem:$0x4730] =	vst v63  }
0x42: {  	s17 =	simm.s32 $0x3200  }
0x43: {  	[tilespmem:s17], [sflag:$0x1] =	stream.indirect.gather [hbm4b:s26+s12], $0x1, s12, s12, $0xb8;
	[tilespmem:$0x4730] =	vst v63  }
0x44: {  	s16 =	rddreg [dreg:$0xc];
	s17 =	simm.s32 $0x1400  }
0x45: {  	[tilespmem:s17], [sflag:$0x1] =	stream.indirect.gather [hbm4b:s16+s12], $0x1, s2, s12, $0xb8;
	[tilespmem:$0x4730] =	vst v63  }
0x46: {  	s17 =	simm.s32 $0x3400  }
0x47: {  	[tilespmem:s17], [sflag:$0x1] =	stream.indirect.gather [hbm4b:s28+s12], $0x1, s12, s12, $0xb8;
	[tilespmem:$0x4730] =	vst v63  }
0x48: {  	s16 =	rddreg [dreg:$0xd];
	s17 =	simm.s32 $0x1600  }
0x49: {  	[tilespmem:s17], [sflag:$0x1] =	stream.indirect.gather [hbm4b:s16+s12], $0x1, s2, s12, $0xb8;
	[tilespmem:$0x4730] =	vst v63  }
0x4a: {  	s17 =	simm.s32 $0x3600  }
0x4b: {  	[tilespmem:s17], [sflag:$0x1] =	stream.indirect.gather [hbm4b:s29+s12], $0x1, s12, s12, $0xb8;
	[tilespmem:$0x4730] =	vst v63  }
0x4c: {  	s16 =	rddreg [dreg:$0xe];
	s17 =	simm.s32 $0x1800  }
0x4d: {  	[tilespmem:s17], [sflag:$0x1] =	stream.indirect.gather [hbm4b:s16+s12], $0x1, s2, s12, $0xb8;
	[tilespmem:$0x4730] =	vst v63  }
0x4e: {  	s17 =	simm.s32 $0x3800  }
0x4f: {  	[tilespmem:s17], [sflag:$0x1] =	stream.indirect.gather [hbm4b:s31+s12], $0x1, s12, s12, $0xb8;
	[tilespmem:$0x4730] =	vst v63  }
0x50: {  	s16 =	rddreg [dreg:$0xf];
	s17 =	simm.s32 $0x1A00  }
0x51: {  	[tilespmem:s17], [sflag:$0x1] =	stream.indirect.gather [hbm4b:s16+s12], $0x1, s2, s12, $0xb8;
	[tilespmem:$0x4730] =	vst v63  }
0x52: {  	s17 =	simm.s32 $0x3A00  }
0x53: {  	[tilespmem:s17], [sflag:$0x1] =	stream.indirect.gather [hbm4b:s0+s12], $0x1, s12, s12, $0xb8;
	[tilespmem:$0x4730] =	vst v63  }
0x54: {  	s16 =	rddreg [dreg:$0x10];
	s17 =	simm.s32 $0x1C00  }
0x55: {  	[tilespmem:s17], [sflag:$0x1] =	stream.indirect.gather [hbm4b:s16+s12], $0x1, s2, s12, $0xb8;
	[tilespmem:$0x4730] =	vst v63  }
0x56: {  	s17 =	simm.s32 $0x3C00  }
0x57: {  	[tilespmem:s17], [sflag:$0x1] =	stream.indirect.gather [hbm4b:s1+s12], $0x1, s12, s12, $0xb8;
	[tilespmem:$0x4730] =	vst v63  }
0x58: {  	s16 =	rddreg [dreg:$0x11];
	s17 =	simm.s32 $0x1E00  }
0x59: {  	[tilespmem:s17], [sflag:$0x1] =	stream.indirect.gather [hbm4b:s16+s12], $0x1, s2, s12, $0xb8;
	[tilespmem:$0x4730] =	vst v63  }
0x5a: {  	s17 =	simm.s32 $0x3E00  }
0x5b: {  	[tilespmem:s17], [sflag:$0x1] =	stream.indirect.gather [hbm4b:s3+s12], $0x1, s12, s12, $0xb8;
	[tilespmem:$0x4730] =	vst v63  }
0x5c: {  	s16 =	rddreg [dreg:$0x12];
	s17 =	simm.s32 $0x2000  }
0x5d: {  	[tilespmem:s17], [sflag:$0x1] =	stream.indirect.gather [hbm4b:s16+s12], $0x1, s2, s12, $0xb8;
	[tilespmem:$0x4730] =	vst v63  }
0x5e: {  	s17 =	simm.s32 $0x4000  }
0x5f: {  	[tilespmem:s17], [sflag:$0x1] =	stream.indirect.gather [hbm4b:s4+s12], $0x1, s12, s12, $0xb8;
	[tilespmem:$0x4730] =	vst v63  }
0x60: {  	s16 =	rddreg [dreg:$0x13];
	s17 =	simm.s32 $0x2200  }
0x61: {  	[tilespmem:s17], [sflag:$0x1] =	stream.indirect.gather [hbm4b:s16+s12], $0x1, s2, s12, $0xb8;
	[tilespmem:$0x4730] =	vst v63  }
0x62: {  	s16 =	simm.s32 $0x4200  }
0x63: {  	[tilespmem:s16], [sflag:$0x1] =	stream.indirect.gather [hbm4b:s5+s12], $0x1, s12, s12, $0xb8;
	[tilespmem:$0x4730] =	vst v63  }
0x64: {  	s17 =	simm.s32 $0x2400  }
0x65: {  	[tilespmem:s17], [sflag:$0x1] =	stream.indirect.gather [hbm4b:s18+s12], $0x1, s2, s12, $0xb8;
	[tilespmem:$0x4730] =	vst v63  }
0x66: {  	s16 =	simm.s32 $0x4400  }
0x67: {  	[tilespmem:s16], [sflag:$0x1] =	stream.indirect.gather [hbm4b:s6+s12], $0x1, s12, s12, $0xb8;
	[tilespmem:$0x4730] =	vst v63  }
0x68: {  	_ =	swait.ge [sflag:s13], $0x200  }
0x69: {  	[sflag:s13] =	ssyncset.done $0x0  }
0x6a: {  	[sflag:s13] =	ssyncadd.s32 $0xFFFFFE00  }
0x6b: {  	_ =	swait.ge [sflag:s13], $0x200  }
0x6c: {  	[sflag:s13] =	ssyncset.done $0x0  }
0x6d: {  	[sflag:s13] =	ssyncadd.s32 $0xFFFFFE00  }
0x6e: {  	_ =	swait.ge [sflag:s13], $0x200  }
0x6f: {  	[sflag:s13] =	ssyncset.done $0x0  }
0x70: {  	[sflag:s13] =	ssyncadd.s32 $0xFFFFFE00  }
0x71: {  	_ =	swait.ge [sflag:s13], $0x200  }
0x72: {  	[sflag:s13] =	ssyncset.done $0x0  }
0x73: {  	[sflag:s13] =	ssyncadd.s32 $0xFFFFFE00  }
0x74: {  	_ =	swait.ge [sflag:s13], $0x200  }
0x75: {  	[sflag:s13] =	ssyncset.done $0x0  }
0x76: {  	[sflag:s13] =	ssyncadd.s32 $0xFFFFFE00  }
0x77: {  	_ =	swait.ge [sflag:s13], $0x200  }
0x78: {  	[sflag:s13] =	ssyncset.done $0x0  }
0x79: {  	[sflag:s13] =	ssyncadd.s32 $0xFFFFFE00  }
0x7a: {  	_ =	swait.ge [sflag:s13], $0x200  }
0x7b: {  	[sflag:s13] =	ssyncset.done $0x0  }
0x7c: {  	[sflag:s13] =	ssyncadd.s32 $0xFFFFFE00  }
0x7d: {  	_ =	swait.ge [sflag:s13], $0x200  }
0x7e: {  	[sflag:s13] =	ssyncset.done $0x0  }
0x7f: {  	[sflag:s13] =	ssyncadd.s32 $0xFFFFFE00  }
0x80: {  	_ =	swait.ge [sflag:s13], $0x200  }
0x81: {  	[sflag:s13] =	ssyncset.done $0x0  }
0x82: {  	[sflag:s13] =	ssyncadd.s32 $0xFFFFFE00  }
0x83: {  	_ =	swait.ge [sflag:s13], $0x200  }
0x84: {  	[sflag:s13] =	ssyncset.done $0x0  }
0x85: {  	[sflag:s13] =	ssyncadd.s32 $0xFFFFFE00  }
0x86: {  	_ =	swait.ge [sflag:s13], $0x200  }
0x87: {  	[sflag:s13] =	ssyncset.done $0x0  }
0x88: {  	[sflag:s13] =	ssyncadd.s32 $0xFFFFFE00  }
0x89: {  	_ =	swait.ge [sflag:s13], $0x200  }
0x8a: {  	[sflag:s13] =	ssyncset.done $0x0  }
0x8b: {  	[sflag:s13] =	ssyncadd.s32 $0xFFFFFE00  }
0x8c: {  	_ =	swait.ge [sflag:s13], $0x200  }
0x8d: {  	[sflag:s13] =	ssyncset.done $0x0  }
0x8e: {  	[sflag:s13] =	ssyncadd.s32 $0xFFFFFE00  }
0x8f: {  	_ =	swait.ge [sflag:s13], $0x200  }
0x90: {  	[sflag:s13] =	ssyncset.done $0x0  }
0x91: {  	[sflag:s13] =	ssyncadd.s32 $0xFFFFFE00  }
0x92: {  	_ =	swait.ge [sflag:s13], $0x200  }
0x93: {  	[sflag:s13] =	ssyncset.done $0x0  }
0x94: {  	[sflag:s13] =	ssyncadd.s32 $0xFFFFFE00  }
0x95: {  	_ =	swait.ge [sflag:s13], $0x200  }
0x96: {  	[sflag:s13] =	ssyncset.done $0x0  }
0x97: {  	[sflag:s13] =	ssyncadd.s32 $0xFFFFFE00  }
0x98: {  	_ =	swait.ge [sflag:s13], $0x200  }
0x99: {  	[sflag:s13] =	ssyncset.done $0x0  }
0x9a: {  	[sflag:s13] =	ssyncadd.s32 $0xFFFFFE00  }
0x9b: {  	_ =	swait.ge [sflag:s13], $0x200  }
0x9c: {  	[sflag:s13] =	ssyncset.done $0x0  }
0x9d: {  	[sflag:s13] =	ssyncadd.s32 $0xFFFFFE00  }
0x9e: {  	_ =	swait.ge [sflag:s13], $0x200  }
0x9f: {  	[sflag:s13] =	ssyncset.done $0x0  }
0xa0: {  	[sflag:s13] =	ssyncadd.s32 $0xFFFFFE00  }
0xa1: {  	_ =	swait.ge [sflag:s13], $0x200  }
0xa2: {  	[sflag:s13] =	ssyncset.done $0x0  }
0xa3: {  	[sflag:s13] =	ssyncadd.s32 $0xFFFFFE00  }
0xa4: {  	_ =	swait.ge [sflag:s13], $0x200  }
0xa5: {  	[sflag:s13] =	ssyncset.done $0x0  }
0xa6: {  	[sflag:s13] =	ssyncadd.s32 $0xFFFFFE00  }
0xa7: {  	_ =	swait.ge [sflag:s13], $0x200  }
0xa8: {  	[sflag:s13] =	ssyncset.done $0x0  }
0xa9: {  	[sflag:s13] =	ssyncadd.s32 $0xFFFFFE00  }
0xaa: {  	_ =	swait.ge [sflag:s13], $0x200  }
0xab: {  	[sflag:s13] =	ssyncset.done $0x0  }
0xac: {  	[sflag:s13] =	ssyncadd.s32 $0xFFFFFE00  }
0xad: {  	_ =	swait.ge [sflag:s13], $0x200  }
0xae: {  	[sflag:s13] =	ssyncset.done $0x0  }
0xaf: {  	[sflag:s13] =	ssyncadd.s32 $0xFFFFFE00  }
0xb0: {  	_ =	swait.ge [sflag:s13], $0x200  }
0xb1: {  	[sflag:s13] =	ssyncset.done $0x0  }
0xb2: {  	[sflag:s13] =	ssyncadd.s32 $0xFFFFFE00  }
0xb3: {  	_ =	swait.ge [sflag:s13], $0x200  }
0xb4: {  	[sflag:s13] =	ssyncset.done $0x0  }
0xb5: {  	[sflag:s13] =	ssyncadd.s32 $0xFFFFFE00  }
0xb6: {  	_ =	swait.ge [sflag:s13], $0x200  }
0xb7: {  	[sflag:s13] =	ssyncset.done $0x0  }
0xb8: {  	[sflag:s13] =	ssyncadd.s32 $0xFFFFFE00  }
0xb9: {  	_ =	swait.ge [sflag:s13], $0x200  }
0xba: {  	[sflag:s13] =	ssyncset.done $0x0  }
0xbb: {  	[sflag:s13] =	ssyncadd.s32 $0xFFFFFE00  }
0xbc: {  	_ =	swait.ge [sflag:s13], $0x200  }
0xbd: {  	[sflag:s13] =	ssyncset.done $0x0  }
0xbe: {  	[sflag:s13] =	ssyncadd.s32 $0xFFFFFE00  }
0xbf: {  	_ =	swait.ge [sflag:s13], $0x200  }
0xc0: {  	[sflag:s13] =	ssyncset.done $0x0  }
0xc1: {  	[sflag:s13] =	ssyncadd.s32 $0xFFFFFE00  }
0xc2: {  	_ =	swait.ge [sflag:s13], $0x200  }
0xc3: {  	[sflag:s13] =	ssyncset.done $0x0  }
0xc4: {  	[sflag:s13] =	ssyncadd.s32 $0xFFFFFE00  }
0xc5: {  	_ =	swait.ge [sflag:s13], $0x200  }
0xc6: {  	[sflag:s13] =	ssyncset.done $0x0  }
0xc7: {  	s17 =	simm.s32 $0x0;
	[sflag:s13] =	ssyncadd.s32 $0xFFFFFE00  }
0xc8: {  	v0 =	vld [tilespmem:s17+$0x600]  }
0xc9: {  	v1 =	vld [tilespmem:s17+$0x2600]  }
0xca: {  	v2 =	vld [tilespmem:s17+$0x800]  }
0xcb: {  	v3 =	vld [tilespmem:s17+$0x2800]  }
0xcc: {  	v4 =	vld [tilespmem:s17+$0xA00]  }
0xcd: {  	v5 =	vld [tilespmem:s17+$0x2A00]  }
0xce: {  	v6 =	vld [tilespmem:s17+$0xC00];
	v0 =	vmul.f32 v1, v0  }
0xcf: {  	v1 =	vld [tilespmem:s17+$0x2C00]  }
0xd0: {  	v7 =	vld [tilespmem:s17+$0xE00];
	v2 =	vmul.f32 v3, v2;
	v0 =	vadd.f32 $0.0e+00, v0  }
0xd1: {  	v3 =	vld [tilespmem:s17+$0x2E00]  }
0xd2: {  	v8 =	vld [tilespmem:s17+$0x1000];
	v0 =	vadd.f32 v2, v0;
	v2 =	vmul.f32 v5, v4  }
0xd3: {  	v4 =	vld [tilespmem:s17+$0x3000]  }
0xd4: {  	v5 =	vld [tilespmem:s17+$0x1200];
	v1 =	vmul.f32 v1, v6;
	v0 =	vadd.f32 v2, v0  }
0xd5: {  	v2 =	vld [tilespmem:s17+$0x3200]  }
0xd6: {  	v6 =	vld [tilespmem:s17+$0x1400];
	v0 =	vadd.f32 v1, v0;
	v1 =	vmul.f32 v3, v7  }
0xd7: {  	v3 =	vld [tilespmem:s17+$0x3400]  }
0xd8: {  	v7 =	vld [tilespmem:s17+$0x1600];
	v0 =	vadd.f32 v1, v0;
	v1 =	vmul.f32 v4, v8  }
0xd9: {  	v4 =	vld [tilespmem:s17+$0x3600]  }
0xda: {  	v8 =	vld [tilespmem:s17+$0x1800];
	v0 =	vadd.f32 v1, v0;
	v1 =	vmul.f32 v2, v5  }
0xdb: {  	v2 =	vld [tilespmem:s17+$0x3800]  }
0xdc: {  	v5 =	vld [tilespmem:s17+$0x1A00];
	v0 =	vadd.f32 v1, v0;
	v1 =	vmul.f32 v3, v6  }
0xdd: {  	v3 =	vld [tilespmem:s17+$0x3A00]  }
0xde: {  	v6 =	vld [tilespmem:s17+$0x1C00];
	v0 =	vadd.f32 v1, v0;
	v1 =	vmul.f32 v4, v7  }
0xdf: {  	v4 =	vld [tilespmem:s17+$0x3C00]  }
0xe0: {  	v7 =	vld [tilespmem:s17+$0x1E00];
	v0 =	vadd.f32 v1, v0;
	v1 =	vmul.f32 v2, v8  }
0xe1: {  	v8 =	vld [tilespmem:s17+$0x3E00]  }
0xe2: {  	v9 =	vld [tilespmem:s17+$0x2000];
	v0 =	vadd.f32 v1, v0;
	v1 =	vmul.f32 v3, v5  }
0xe3: {  	v10 =	vld [tilespmem:s17+$0x4000]  }
0xe4: {  	v3 =	vld [tilespmem:s17+$0x2200];
	v0 =	vadd.f32 v1, v0;
	v1 =	vmul.f32 v4, v6  }
0xe5: {  	v5 =	vld [tilespmem:s17+$0x4200]  }
0xe6: {  	v2 =	vld [tilespmem:s17+$0x2400];
	v6 =	vmul.f32 v8, v7;
	v0 =	vadd.f32 v1, v0  }
0xe7: {  	s15 =	simm.s32 $0x10;
	v4 =	vld [tilespmem:s17+$0x4400]  }
0xe8: {  	v7 =	vmul.f32 v10, v9;
	v8 =	vld [tilespmem:s15+$0x600];
	v6 =	vadd.f32 v6, v0  }
0xe9: {  	s16 =	simm.s32 $0x80;
	v1 =	vld [tilespmem:s17+$0x400];
	v0 =	vimm.f32 $0.0e+00  }
.LBB2_2:
0xea: {  	p1 =	sne.s32 s16, $0x7C0;
	v9 =	vld [tilespmem:s15+$0x2600];
	v6 =	vadd.f32 v7, v6;
	v3 =	vmul.f32 v5, v3  }
0xeb: {  	v5 =	vld [tilespmem:s15+$0x800]  }
0xec: {  	v7 =	vld [tilespmem:s15+$0x2800];
	v3 =	vadd.f32 v3, v6;
	v2 =	vmul.f32 v4, v2  }
0xed: {  	v4 =	vld [tilespmem:s15+$0xA00]  }
0xee: {  	v6 =	vld [tilespmem:s15+$0x2A00];
	v2 =	vadd.f32 v2, v3  }
0xef: {  	v3 =	vmul.f32 v9, v8;
	v8 =	vld [tilespmem:s15+$0xC00]  }
0xf0: {  	v9 =	vld [tilespmem:s15+$0x2C00];
	v1 =	vadd.f32 v2, v1  }
0xf1: {  	v2 =	vadd.f32 $0.0e+00, v3;
	v3 =	vmul.f32 v7, v5;
	v5 =	vld [tilespmem:s15+$0xE00]  }
0xf2: {  	v7 =	vld [tilespmem:s15+$0x2E00];
	v1 =	vmul.f32 v1, v1  }
0xf3: {  	v2 =	vadd.f32 v3, v2;
	v3 =	vmul.f32 v6, v4;
	v4 =	vld [tilespmem:s15+$0x1000]  }
0xf4: {  	v6 =	vld [tilespmem:s15+$0x3000];
	v0 =	vadd.f32 v1, v0  }
0xf5: {  	v1 =	vadd.f32 v3, v2;
	v2 =	vmul.f32 v9, v8;
	v3 =	vld [tilespmem:s15+$0x1200]  }
0xf6: {  	v8 =	vld [tilespmem:s15+$0x3200]  }
0xf7: {  	v1 =	vadd.f32 v2, v1;
	v2 =	vmul.f32 v7, v5;
	v5 =	vld [tilespmem:s15+$0x1400]  }
0xf8: {  	v7 =	vld [tilespmem:s15+$0x3400]  }
0xf9: {  	v1 =	vadd.f32 v2, v1;
	v2 =	vmul.f32 v6, v4;
	v4 =	vld [tilespmem:s15+$0x1600]  }
0xfa: {  	v6 =	vld [tilespmem:s15+$0x3600]  }
0xfb: {  	v1 =	vadd.f32 v2, v1;
	v2 =	vmul.f32 v8, v3;
	v3 =	vld [tilespmem:s15+$0x1800]  }
0xfc: {  	v8 =	vld [tilespmem:s15+$0x3800]  }
0xfd: {  	v1 =	vadd.f32 v2, v1;
	v2 =	vmul.f32 v7, v5;
	v5 =	vld [tilespmem:s15+$0x1A00]  }
0xfe: {  	v7 =	vld [tilespmem:s15+$0x3A00]  }
0xff: {  	v1 =	vadd.f32 v2, v1;
	v2 =	vmul.f32 v6, v4;
	v4 =	vld [tilespmem:s15+$0x1C00]  }
0x100: {  	v6 =	vld [tilespmem:s15+$0x3C00]  }
0x101: {  	v1 =	vadd.f32 v2, v1;
	v2 =	vmul.f32 v8, v3;
	v8 =	vld [tilespmem:s15+$0x1E00]  }
0x102: {  	v9 =	vld [tilespmem:s15+$0x3E00]  }
0x103: {  	v1 =	vadd.f32 v2, v1;
	v2 =	vmul.f32 v7, v5;
	v7 =	vld [tilespmem:s15+$0x2000]  }
0x104: {  	v10 =	vld [tilespmem:s15+$0x4000]  }
0x105: {  	v1 =	vadd.f32 v2, v1;
	v2 =	vmul.f32 v6, v4;
	v3 =	vld [tilespmem:s15+$0x2200]  }
.Ltmp0:
0x106: {  	v5 =	vld [tilespmem:s15+$0x4200];
	(pc) =	sbr.rel @p1 .LBB2_2-.Ltmp0, $4  }
0x107: {  	v1 =	vadd.f32 v2, v1;
	v6 =	vmul.f32 v9, v8;
	v2 =	vld [tilespmem:s15+$0x2400]  }
0x108: {  	v4 =	vld [tilespmem:s15+$0x4400]  }
0x109: {  	v6 =	vadd.f32 v6, v1;
	v7 =	vmul.f32 v10, v7;
	v1 =	vld [tilespmem:s15+$0x400];
	s15 =	sshra.s32 s16, $0x2  }
0x10a: {  	s16 =	sadd.s32 $0x40, s16;
	v8 =	vld [tilespmem:s15+$0x600]  }
0x10b: {  	v9 =	vld [tilespmem:s15+$0x2600]  }
0x10c: {  	v10 =	vld [tilespmem:s15+$0x800]  }
0x10d: {  	v11 =	vld [tilespmem:s15+$0x2800]  }
0x10e: {  	v12 =	vld [tilespmem:s15+$0xA00]  }
0x10f: {  	v13 =	vld [tilespmem:s15+$0x2A00]  }
0x110: {  	v21 =	vld [tilespmem:s15+$0xC00];
	v8 =	vmul.f32 v9, v8  }
0x111: {  	v14 =	vld [tilespmem:s15+$0x2C00]  }
0x112: {  	v22 =	vld [tilespmem:s15+$0xE00];
	v10 =	vmul.f32 v11, v10;
	v8 =	vadd.f32 $0.0e+00, v8  }
0x113: {  	v15 =	vld [tilespmem:s15+$0x2E00]  }
0x114: {  	v24 =	vld [tilespmem:s15+$0x1000];
	v23 =	vmul.f32 v13, v12;
	v8 =	vadd.f32 v10, v8  }
0x115: {  	v25 =	vld [tilespmem:s15+$0x3000]  }
0x116: {  	v26 =	vld [tilespmem:s15+$0x1200];
	v9 =	vmul.f32 v14, v21;
	v8 =	vadd.f32 v23, v8  }
0x117: {  	v27 =	vld [tilespmem:s15+$0x3200]  }
0x118: {  	v29 =	vld [tilespmem:s15+$0x1400];
	v28 =	vmul.f32 v15, v22;
	v8 =	vadd.f32 v9, v8  }
0x119: {  	v30 =	vld [tilespmem:s15+$0x3400]  }
0x11a: {  	v32 =	vld [tilespmem:s15+$0x1600];
	v31 =	vmul.f32 v25, v24;
	v8 =	vadd.f32 v28, v8  }
0x11b: {  	v33 =	vld [tilespmem:s15+$0x3600]  }
0x11c: {  	v35 =	vld [tilespmem:s15+$0x1800];
	v34 =	vmul.f32 v27, v26;
	v8 =	vadd.f32 v31, v8  }
0x11d: {  	v36 =	vld [tilespmem:s15+$0x3800]  }
0x11e: {  	v38 =	vld [tilespmem:s15+$0x1A00];
	v37 =	vmul.f32 v30, v29;
	v8 =	vadd.f32 v34, v8  }
0x11f: {  	v39 =	vld [tilespmem:s15+$0x3A00]  }
0x120: {  	v41 =	vld [tilespmem:s15+$0x1C00];
	v40 =	vmul.f32 v33, v32;
	v8 =	vadd.f32 v37, v8  }
0x121: {  	v42 =	vld [tilespmem:s15+$0x3C00]  }
0x122: {  	v44 =	vld [tilespmem:s15+$0x1E00];
	v43 =	vmul.f32 v36, v35;
	v8 =	vadd.f32 v40, v8  }
0x123: {  	v45 =	vld [tilespmem:s15+$0x3E00]  }
0x124: {  	v47 =	vld [tilespmem:s15+$0x2000];
	v46 =	vmul.f32 v39, v38;
	v8 =	vadd.f32 v43, v8  }
0x125: {  	v48 =	vld [tilespmem:s15+$0x4000]  }
0x126: {  	v50 =	vld [tilespmem:s15+$0x2200];
	v49 =	vmul.f32 v42, v41;
	v8 =	vadd.f32 v46, v8  }
0x127: {  	v51 =	vld [tilespmem:s15+$0x4200]  }
0x128: {  	v53 =	vld [tilespmem:s15+$0x2400];
	v52 =	vmul.f32 v45, v44;
	v8 =	vadd.f32 v49, v8  }
0x129: {  	v6 =	vadd.f32 v7, v6;
	v3 =	vmul.f32 v5, v3;
	v54 =	vld [tilespmem:s15+$0x4400]  }
0x12a: {  	v56 =	vmul.f32 v48, v47;
	v55 =	vadd.f32 v52, v8  }
0x12b: {  	v3 =	vadd.f32 v3, v6  }
0x12c: {  	v2 =	vmul.f32 v4, v2;
	v58 =	vmul.f32 v51, v50;
	v57 =	vadd.f32 v56, v55  }
0x12d: {  	v59 =	vld [tilespmem:s15+$0x400]  }
0x12e: {  	v2 =	vadd.f32 v2, v3;
	v61 =	vmul.f32 v54, v53;
	v60 =	vadd.f32 v58, v57;
	_ =	sdelay $0x1  }
0x12f: {  	v1 =	vadd.f32 v2, v1;
	v62 =	vadd.f32 v61, v60;
	_ =	sdelay $0x1  }
0x130: {  	v1 =	vmul.f32 v1, v1;
	v2 =	vadd.f32 v62, v59;
	_ =	sdelay $0x1  }
0x131: {  	v0 =	vadd.f32 v1, v0;
	v63 =	vmul.f32 v2, v2;
	_ =	sdelay $0x1  }
0x132: {  	v0 =	vadd.f32 v63, v0;
	_ =	sdelay $0x1  }
0x133: {  	s17 =	simm.s32 $0x4600;
	[tilespmem:$0x4600] =	vst v0  }
0x134: {  	[spmem:s8] =	stream.linear.scatter [tilespmem:s17], [sflag:$0x2], $0x10, $0x38;
	[tilespmem:$0x4730] =	vst v63  }
0x135: {  	_ =	swait.ge [sflag:s11], $0x10  }
0x136: {  	[sflag:s11] =	ssyncset.done $0x0  }
0x137: {  	[sflag:s11] =	ssyncadd.s32 $0xFFFFFFF0  }
0x138: {  	[bflag:$0x0] =	sbarrier.arrive $0xFFFF  }
0x139: {  	s15 =	simm.s32 @!p0 $0x4620;
	s16 =	rddreg [dreg:$0x3]  }
0x13a: {  	[tilespmem:s15], [sflag:$0x2] =	stream.linear.gather @!p0 [spmem:s16], $0x100, $0x38;
	[tilespmem:$0x4730] =	vst v63  }
0x13b: {  	s15 =	simm.s32 @!p0 $0x2  }
0x13c: {  	_ =	swait.ge @!p0 [sflag:s15], $0x100  }
0x13d: {  	[sflag:s15] =	ssyncset.done @!p0 $0x0  }
0x13e: {  	[sflag:s15] =	ssyncadd.s32 @!p0 $0xFFFFFF00  }
0x13f: {  	v0 =	vld @!p0 [tilespmem:$0x4620];
	_ =	sdelay $0x1  }
0x140: {  	v1 =	vld @!p0 [tilespmem:$0x4630];
	_ =	sdelay $0x1  }
0x141: {  	v2 =	vld @!p0 [tilespmem:$0x4640]  }
0x142: {  	v0 =	vadd.f32 @!p0 $0.0e+00, v0  }
0x143: {  	v3 =	vld @!p0 [tilespmem:$0x4650]  }
0x144: {  	v0 =	vadd.f32 @!p0 v1, v0  }
0x145: {  	v1 =	vld @!p0 [tilespmem:$0x4660]  }
0x146: {  	v0 =	vadd.f32 @!p0 v2, v0  }
0x147: {  	v2 =	vld @!p0 [tilespmem:$0x4670]  }
0x148: {  	v0 =	vadd.f32 @!p0 v3, v0  }
0x149: {  	v3 =	vld @!p0 [tilespmem:$0x4680]  }
0x14a: {  	v0 =	vadd.f32 @!p0 v1, v0  }
0x14b: {  	v1 =	vld @!p0 [tilespmem:$0x4690]  }
0x14c: {  	v0 =	vadd.f32 @!p0 v2, v0  }
0x14d: {  	v2 =	vld @!p0 [tilespmem:$0x46A0]  }
0x14e: {  	v0 =	vadd.f32 @!p0 v3, v0  }
0x14f: {  	v3 =	vld @!p0 [tilespmem:$0x46B0]  }
0x150: {  	v0 =	vadd.f32 @!p0 v1, v0  }
0x151: {  	v1 =	vld @!p0 [tilespmem:$0x46C0]  }
0x152: {  	v0 =	vadd.f32 @!p0 v2, v0  }
0x153: {  	v2 =	vld @!p0 [tilespmem:$0x46D0]  }
0x154: {  	v0 =	vadd.f32 @!p0 v3, v0  }
0x155: {  	v3 =	vld @!p0 [tilespmem:$0x46E0]  }
0x156: {  	v0 =	vadd.f32 @!p0 v1, v0  }
0x157: {  	v1 =	vld @!p0 [tilespmem:$0x46F0]  }
0x158: {  	v0 =	vadd.f32 @!p0 v2, v0  }
0x159: {  	v2 =	vld @!p0 [tilespmem:$0x4700]  }
0x15a: {  	v0 =	vadd.f32 @!p0 v3, v0  }
0x15b: {  	v3 =	vld @!p0 [tilespmem:$0x4710]  }
0x15c: {  	v0 =	vadd.f32 @!p0 v1, v0;
	_ =	sdelay $0x1  }
0x15d: {  	v0 =	vadd.f32 @!p0 v2, v0;
	_ =	sdelay $0x1  }
0x15e: {  	v0 =	vadd.f32 @!p0 v3, v0;
	_ =	sdelay $0x1  }
0x15f: {  	(xrf2) =	vadd.scan.msk.f32 @!p0 $0xffff, v0;
	_ =	sdelay $0x9  }
0x160: {  	v0, _, _ =	vpop @!p0 (xrf2)  }
0x161: {  	(v2sf) =	vpush @!p0 v0, $0xF;
	_ =	sdelay $0xe  }
0x162: {  	s16 =	spop @!p0 (v2sf)  }
0x163: {  	s16 =	smul.f32 @!p0 $3.051757810e-05, s16  }
0x164: {  	s14 =	sadd.s32 $0x1, s14  }
0x165: {  	p1 =	sne.s32 s14, s10;
	v0 =	vmov @!p0 s16  }
.Ltmp1:
0x166: {  	s17 =	simm.s32 @!p0 $0x4610;
	s16 =	simm.s32 @!p0 $0x0;
	[tilespmem:$0x4610] =	vst @!p0 v0;
	(pc) =	sbr.rel @p1 .LBB2_1-.Ltmp1, $4  }
0x167: {  	[hbm4b:s9+s16] =	stream.linear.scatter @!p0 [tilespmem:s17], [sflag:$0x2], $0x10, $0x38;
	[tilespmem:$0x4730] =	vst v63  }
0x168: {  	_ =	swait.ge @!p0 [sflag:s15], $0x10  }
0x169: {  	[sflag:s15] =	ssyncset.done @!p0 $0x0  }
0x16a: {  	[sflag:s15] =	ssyncadd.s32 @!p0 $0xFFFFFFF0  }
0x16b: {  	_ =	sfence.sel $0x180000  }
0x16c: {  	[bflag:$0x0] =	sbarrier.arrive $0xFFFF  }
0x16d: {  	_ =	strace $0x9000004A  }
0x16e: {  	[bflag:$0x2] =	sbarrier.arrive $0xFFFF  }
0x16f: {  	s0 =	rddreg [dreg:$0x4]  }
0x170: {  	s0 =	sadd.s32 @!p0 $0x100000, s0  }
0x171: {  	[sflag:s0] =	ssyncadd.tile.s32 @!p0 $0x1;
	_ =	shalt  }
.Lfunc_end2:
_tile_overlayer_lowered:
.L_overlay_start_2:
0x172: {  	(tag) =	ssettag $0x2  }
0x173: {  	s0 =	rddreg [dreg:$0x0];
	s2 =	stileid.u32  }
0x174: {  	s1 =	rddreg [dreg:$0x1];
	p0 =	sne.s32 s2, $0x0  }
0x175: {  	s3 =	rddreg [dreg:$0x2];
	[bflag:$0x3] =	sbarrier.arrive $0xFFFF;
	s2 =	simm.s32 @!p0 $0x1C02  }
0x176: {  	[timem:s3], [sflag:s2] =	dma.local @!p0 [hbm:s0], s1  }
0x177: {  	s0 =	simm.s32 @!p0 $0x2  }
0x178: {  	_ =	swait.ge @!p0 [sflag:s0], s1  }
0x179: {  	s1 =	ssub.s32 @!p0 $0x0, s1;
	[sflag:s0] =	ssyncset.done @!p0 $0x0  }
0x17a: {  	[sflag:s0] =	ssyncadd.s32 @!p0 s1  }
0x17b: {  	[bflag:$0x3] =	sbarrier.arrive $0xFFFF  }
0x17c: {  	_ =	shalt  }

</sc_bundles>
